<compile_context>
chip_gen: v7x
topology: tpu7x:2x2x1
jax: 0.10.2.dev20260603
libtpu: 0.0.44.dev20260713+nightly
codegen_flags: <defaults>
</compile_context>

<pallas_src>
import functools

import jax
import jax.numpy as jnp
from jax import lax
from jax.experimental import pallas as pl
from jax.experimental.pallas import tpu as pltpu
from jax.experimental.pallas import tpu_sc as plsc

E = 8
TOP_K = 2
D = 768
H = 1536
T = 2048

TILE = 256
NTILES = 24
P = NTILES * TILE
CHUNK = 128

NC = 2
NS = 16
NW = NC * NS
TPW = T // NW


def _router_kernel(x_ref, wg_ref, b_ref, pp_ref, gg_ref, te_ref,
                   af_ref, rb_ref, sl_ref, loss_ref):
    x = x_ref[...]
    s = lax.dot_general(
        x, wg_ref[...], (((1,), (1,)), ((), ())),
        preferred_element_type=jnp.float32,
    ) + b_ref[...][None, :]

    idx = lax.broadcasted_iota(jnp.int32, (T, E), 1)
    m1 = jnp.max(s, axis=1, keepdims=True)
    i1 = jnp.min(jnp.where(s == m1, idx, E), axis=1, keepdims=True)
    s2 = jnp.where(idx == i1, -jnp.inf, s)
    m2 = jnp.max(s2, axis=1, keepdims=True)
    i2 = jnp.min(jnp.where(s2 == m2, idx, E), axis=1, keepdims=True)

    d = jnp.exp(m2 - m1)
    g1 = 1.0 / (1.0 + d)
    g2 = d / (1.0 + d)

    one1 = (idx == i1).astype(jnp.float32)
    one2 = (idx == i2).astype(jnp.float32)

    usage_v = jnp.sum(one1 + one2, axis=0)
    probs = jax.nn.softmax(s, axis=1)
    pmean = jnp.mean(probs, axis=0)
    usage_ratio = usage_v / jnp.sum(usage_v)
    prob_ratio = pmean / jnp.sum(pmean)
    loss_ref[0, 0] = jnp.sum(usage_ratio * prob_ratio) * E

    cnt = one1 + one2
    ii = lax.broadcasted_iota(jnp.int32, (CHUNK, CHUNK), 0)
    jj = lax.broadcasted_iota(jnp.int32, (CHUNK, CHUNK), 1)
    ltri = (jj < ii).astype(jnp.float32)
    parts = []
    run = jnp.zeros((1, E), jnp.float32)
    for c in range(T // CHUNK):
        blk = cnt[c * CHUNK:(c + 1) * CHUNK]
        within = lax.dot_general(
            ltri, blk, (((1,), (0,)), ((), ())),
            preferred_element_type=jnp.float32,
            precision=lax.Precision.HIGHEST,
        )
        parts.append(within + run)
        run = run + jnp.sum(blk, axis=0, keepdims=True)
    cexc = jnp.concatenate(parts, axis=0)
    usage = run

    pc = jnp.ceil(usage / TILE) * TILE
    er = lax.broadcasted_iota(jnp.int32, (E, E), 0)
    ec = lax.broadcasted_iota(jnp.int32, (E, E), 1)
    tri8 = (er < ec).astype(jnp.float32)
    astart = lax.dot_general(
        pc, tri8, (((1,), (0,)), ((), ())),
        preferred_element_type=jnp.float32,
        precision=lax.Precision.HIGHEST,
    )

    pos = astart + cexc
    p1 = jnp.sum(one1 * pos, axis=1)
    p2 = jnp.sum(one2 * pos, axis=1)
    pp_ref[...] = jnp.concatenate(
        [p1[None, :], p2[None, :]], axis=0).astype(jnp.int32)

    lane = lax.broadcasted_iota(jnp.int32, (T, 128), 1)
    gg_ref[...] = (g1 * (lane == 0) + g2 * (lane == 1)).astype(jnp.float32)

    total = jnp.sum(pc)
    jrow = lax.broadcasted_iota(jnp.int32, (128, E), 0).astype(jnp.float32) * TILE
    tj = jnp.minimum(jrow, total - 1.0)
    cmp = (astart <= tj).astype(jnp.float32)
    te = jnp.clip(jnp.sum(cmp, axis=1) - 1.0, 0.0, E - 1)
    te_ref[...] = te[None, :].astype(jnp.int32)
    jt = lax.broadcasted_iota(jnp.int32, (1, 128), 1).astype(jnp.float32)
    af = (jt * TILE < total).astype(jnp.int32)
    rb = jnp.minimum(jt, total / TILE - 1.0)
    af_ref[...] = af
    rb_ref[...] = rb.astype(jnp.int32)

    te2 = te[None, :]
    i2 = lax.broadcasted_iota(jnp.int32, (128, 128), 0)
    j2 = lax.broadcasted_iota(jnp.int32, (128, 128), 1)
    shift = (i2 + 1 == j2).astype(jnp.float32)
    te_prev = lax.dot_general(
        te2, shift, (((1,), (0,)), ((), ())),
        preferred_element_type=jnp.float32,
        precision=lax.Precision.HIGHEST,
    )
    dif = (te2 != te_prev).astype(jnp.float32)
    incl = (i2 <= j2).astype(jnp.float32)
    csum = lax.dot_general(
        dif, incl, (((1,), (0,)), ((), ())),
        preferred_element_type=jnp.float32,
        precision=lax.Precision.HIGHEST,
    )
    sl_ref[...] = (csum - 2.0 * jnp.floor(csum * 0.5)).astype(jnp.int32)


def _expert_kernel(te_ref, rb_ref, af_ref, xs_ref, w1_ref, w2_ref, ys_ref):
    del te_ref, rb_ref
    j = pl.program_id(0)

    @pl.when(af_ref[j] != 0)
    def _():
        xb = xs_ref[...].astype(jnp.bfloat16)
        w1 = w1_ref[0].astype(jnp.bfloat16)
        w2 = w2_ref[0].astype(jnp.bfloat16)
        h = lax.dot_general(
            xb, w1, (((1,), (1,)), ((), ())),
            preferred_element_type=jnp.float32,
        )
        x1 = h[:, :H]
        x2 = h[:, H:]
        act = (x1 * lax.logistic(x1) * x2).astype(jnp.bfloat16)
        ys_ref[...] = lax.dot_general(
            act, w2, (((1,), (1,)), ((), ())),
            preferred_element_type=jnp.float32,
        )


def _combine_kernel(gg_ref, y1_ref, y2_ref, out_ref):
    g1 = gg_ref[:, 0:1]
    g2 = gg_ref[:, 1:2]
    out_ref[...] = g1 * y1_ref[...] + g2 * y2_ref[...]


@functools.cache
def _sc_kernels():
    mesh = plsc.VectorSubcoreMesh(core_axis_name="c", subcore_axis_name="s")

    @functools.partial(
        pl.kernel,
        mesh=mesh,
        out_type=jax.ShapeDtypeStruct((P, D), jnp.float32),
        scratch_types=[
            pltpu.VMEM((TPW, D), jnp.float32),
            pltpu.VMEM((TPW,), jnp.int32),
            pltpu.SemaphoreType.DMA,
        ],
    )
    def sc_dispatch(x_hbm, p1_hbm, p2_hbm, xs_hbm, rows_v, idx_v, sem):
        wid = lax.axis_index("s") * NC + lax.axis_index("c")
        base = wid * TPW
        pltpu.sync_copy(x_hbm.at[pl.ds(base, TPW)], rows_v)
        pltpu.sync_copy(p1_hbm.at[pl.ds(base, TPW)], idx_v)
        pltpu.async_copy(rows_v, xs_hbm.at[idx_v], sem).wait()
        pltpu.sync_copy(p2_hbm.at[pl.ds(base, TPW)], idx_v)
        pltpu.async_copy(rows_v, xs_hbm.at[idx_v], sem).wait()

    @functools.partial(
        pl.kernel,
        mesh=mesh,
        out_type=(
            jax.ShapeDtypeStruct((T, D), jnp.float32),
            jax.ShapeDtypeStruct((T, D), jnp.float32),
        ),
        scratch_types=[
            pltpu.VMEM((TPW, D), jnp.float32),
            pltpu.VMEM((TPW,), jnp.int32),
            pltpu.SemaphoreType.DMA,
        ],
    )
    def sc_combine(ys_hbm, p1_hbm, p2_hbm, y1_hbm, y2_hbm, rows_v, idx_v, sem):
        wid = lax.axis_index("s") * NC + lax.axis_index("c")
        base = wid * TPW
        pltpu.sync_copy(p1_hbm.at[pl.ds(base, TPW)], idx_v)
        pltpu.async_copy(ys_hbm.at[idx_v], rows_v, sem).wait()
        pltpu.sync_copy(rows_v, y1_hbm.at[pl.ds(base, TPW)])
        pltpu.sync_copy(p2_hbm.at[pl.ds(base, TPW)], idx_v)
        pltpu.async_copy(ys_hbm.at[idx_v], rows_v, sem).wait()
        pltpu.sync_copy(rows_v, y2_hbm.at[pl.ds(base, TPW)])

    return sc_dispatch, sc_combine


def kernel(x, Wg, W1, W2, expert_biases):
    xf = x.reshape(T, D)

    pp_i, gg, te_i, af_i, rb_i, sl_i, loss = pl.pallas_call(
        _router_kernel,
        out_shape=(
            jax.ShapeDtypeStruct((2, T), jnp.int32),
            jax.ShapeDtypeStruct((T, 128), jnp.float32),
            jax.ShapeDtypeStruct((1, 128), jnp.int32),
            jax.ShapeDtypeStruct((1, 128), jnp.int32),
            jax.ShapeDtypeStruct((1, 128), jnp.int32),
            jax.ShapeDtypeStruct((1, 128), jnp.int32),
            jax.ShapeDtypeStruct((1, 1), jnp.float32),
        ),
        in_specs=[
            pl.BlockSpec((T, D), lambda: (0, 0)),
            pl.BlockSpec((E, D), lambda: (0, 0)),
            pl.BlockSpec((E,), lambda: (0,)),
        ],
        out_specs=(
            pl.BlockSpec((2, T), lambda: (0, 0)),
            pl.BlockSpec((T, 128), lambda: (0, 0)),
            pl.BlockSpec((1, 128), lambda: (0, 0)),
            pl.BlockSpec((1, 128), lambda: (0, 0)),
            pl.BlockSpec((1, 128), lambda: (0, 0)),
            pl.BlockSpec((1, 128), lambda: (0, 0)),
            pl.BlockSpec((1, 1), lambda: (0, 0), memory_space=pltpu.SMEM),
        ),
    )(xf, Wg, expert_biases)

    p1 = pp_i[0]
    p2 = pp_i[1]
    te = te_i[0, :NTILES]
    af = af_i[0, :NTILES]
    rb = rb_i[0, :NTILES]
    sl = sl_i[0, :NTILES]

    sc_dispatch, sc_combine = _sc_kernels()
    xs = sc_dispatch(xf, p1, p2)

    ys = pl.pallas_call(
        _expert_kernel,
        grid_spec=pltpu.PrefetchScalarGridSpec(
            num_scalar_prefetch=3,
            grid=(NTILES,),
            in_specs=[
                pl.BlockSpec((TILE, D), lambda j, te, rb, af: (rb[j], 0)),
                pl.BlockSpec((1, 2 * H, D), lambda j, te, rb, af: (te[j], 0, 0)),
                pl.BlockSpec((1, D, H), lambda j, te, rb, af: (te[j], 0, 0)),
            ],
            out_specs=pl.BlockSpec((TILE, D), lambda j, te, rb, af: (j, 0)),
        ),
        out_shape=jax.ShapeDtypeStruct((P, D), jnp.float32),
    )(te, rb, af, xs, W1, W2)

    y1, y2 = sc_combine(ys, p1, p2)

    out = pl.pallas_call(
        _combine_kernel,
        out_shape=jax.ShapeDtypeStruct((T, D), jnp.float32),
        in_specs=[
            pl.BlockSpec((T, 128), lambda: (0, 0)),
            pl.BlockSpec((T, D), lambda: (0, 0)),
            pl.BlockSpec((T, D), lambda: (0, 0)),
        ],
        out_specs=pl.BlockSpec((T, D), lambda: (0, 0)),
    )(gg, y1, y2)

    return out.reshape(1, T, D), loss.reshape(())

# --- scband reference (transcript-rebuilt; emitter-appended) ---
"""Pipeline reference for scband-mo-e-64209761075861 (READ-ONLY COPY).

The authoritative reference and input builder live on the scoring server;
editing this copy changes nothing except your own understanding.
"""

import jax, jax.numpy as jnp
import numpy as np

E = 8
TOP_K = 2
D = 768
H = 1536
B = 1
T = 2048


def setup_inputs(seed: int = 0) -> dict:
    key = jax.random.key(seed)
    ks = jax.random.split(key, 4)
    x = jax.random.normal(ks[0], (B, T, D), dtype=jnp.float32)
    Wg = jax.random.normal(ks[1], (E, D), dtype=jnp.float32) * 0.02
    W1 = jax.random.normal(ks[2], (E, 2 * H, D), dtype=jnp.float32) * 0.02
    W2 = jax.random.normal(ks[3], (E, D, H), dtype=jnp.float32) * 0.02
    expert_biases = jnp.zeros((E,), dtype=jnp.float32)
    return {"x": x, "Wg": Wg, "W1": W1, "W2": W2, "expert_biases": expert_biases}


def _moe_forward(x, Wg, W1, W2, expert_biases):
    # gate_scores = self.gate(x) + self.expert_biases
    gate_scores = jnp.einsum('btd,ed->bte', x, Wg) + expert_biases  # [B, T, E]
    topk_vals, topk_idx = jax.lax.top_k(gate_scores, TOP_K)  # [B, T, K]
    topk_gates = jax.nn.softmax(topk_vals, axis=-1)  # [B, T, K]
    # combine weights per expert: zero where expert not selected
    onehot = jax.nn.one_hot(topk_idx, E, dtype=jnp.float32)  # [B, T, K, E]
    combine = jnp.einsum('btk,btke->bte', topk_gates, onehot)  # [B, T, E]
    out = jnp.zeros_like(x)
    for e in range(E):
        # Expert: linear1 -> chunk -> silu(x1)*x2 -> linear2 (all bias-free)
        h = jnp.einsum('btd,hd->bth', x, W1[e])  # [B, T, 2H]
        x1, x2 = jnp.split(h, 2, axis=-1)
        act = jax.nn.silu(x1) * x2  # [B, T, H]
        eo = jnp.einsum('bth,dh->btd', act, W2[e])  # [B, T, D]
        # tokens not routed to expert e have combine weight 0, matching the
        # masked scatter-add in the torch reference
        out = out + combine[..., e:e + 1] * eo
    # load-balancing loss
    expert_usage = onehot.sum(axis=(0, 1, 2))  # [E]
    expert_probs = jax.nn.softmax(gate_scores, axis=-1).mean(axis=(0, 1))  # [E]
    usage_ratio = expert_usage / expert_usage.sum()
    prob_ratio = expert_probs / expert_probs.sum()
    load_balancing_loss = (usage_ratio * prob_ratio).sum() * E
    return out, load_balancing_loss


def reference(x, Wg, W1, W2, expert_biases):
    return _moe_forward(x, Wg, W1, W2, expert_biases)

if __name__ == "__main__":
    import jax
    _d = setup_inputs()
    print(jax.jit(kernel)(*tuple(_d.values())))

</pallas_src>

<mosaic_0001>
#map = affine_map<(d0, d1) -> (0, 0)>
#map1 = affine_map<(d0, d1) -> (0)>
module attributes {stable_mosaic.version = 14 : i64} {
  func.func @sc_combine(%arg0: i32, %arg1: i32, %arg2: memref<6144x768xf32, #tpu.memory_space<hbm>>, %arg3: memref<2048xi32, #tpu.memory_space<hbm>>, %arg4: memref<2048xi32, #tpu.memory_space<hbm>>, %arg5: memref<2048x768xf32, #tpu.memory_space<hbm>>, %arg6: memref<2048x768xf32, #tpu.memory_space<hbm>>, %arg7: memref<64x768xf32, #tpu.memory_space<vmem>>, %arg8: memref<64xi32, #tpu.memory_space<vmem>>, %arg9: memref<!tpu.dma_semaphore, #tpu.memory_space<semaphore_mem>>) attributes {dimension_semantics = [#tpu.dimension_semantics<core_parallel>, #tpu.dimension_semantics<subcore_parallel>], iteration_bounds = array<i64: 2, 16>, scalar_prefetch = 0 : i64, scratch_operands = 3 : i64, tpu.core_type = #tpu.core_type<sc_vector_subcore>, window_params = [{transform_indices = #map}, {transform_indices = #map1}, {transform_indices = #map1}, {transform_indices = #map}, {transform_indices = #map}]} {
    %mul3A = arith.constant 2 : i32
    %mul3A_0 = arith.muli %arg1, %mul3A : i32
    %add3A = arith.addi %mul3A_0, %arg0 : i32
    %mul3A_1 = arith.constant 64 : i32
    %mul3A_2 = arith.muli %add3A, %mul3A_1 : i32
    "tpu.region"() ({
      %run_scoped3A = tpu.sem_alloc : memref<!tpu.dma_semaphore, #tpu.memory_space<semaphore_mem>>
      %dma_start3A_13 = tpu.memref_slice %arg3[%mul3A_2] : memref<2048xi32, #tpu.memory_space<hbm>> -> memref<64xi32, #tpu.memory_space<hbm>>
      %dma_start3A_14 = tpu.memref_slice %arg3[%mul3A_2] : memref<2048xi32, #tpu.memory_space<hbm>> -> memref<64xi32, #tpu.memory_space<hbm>>
      tpu.enqueue_dma source(%dma_start3A_14 : memref<64xi32, #tpu.memory_space<hbm>>) target(%arg8 : memref<64xi32, #tpu.memory_space<vmem>>) target_semaphore(%run_scoped3A : memref<!tpu.dma_semaphore, #tpu.memory_space<semaphore_mem>>)
      %dma_wait3A_15 = tpu.memref_slice %arg3[%mul3A_2] : memref<2048xi32, #tpu.memory_space<hbm>> -> memref<64xi32, #tpu.memory_space<hbm>>
      %dma_wait3A_16 = tpu.memref_slice %arg3[%mul3A_2] : memref<2048xi32, #tpu.memory_space<hbm>> -> memref<64xi32, #tpu.memory_space<hbm>>
      tpu.wait_dma2 semaphore(%run_scoped3A : memref<!tpu.dma_semaphore, #tpu.memory_space<semaphore_mem>>) src(%dma_wait3A_16 : memref<64xi32, #tpu.memory_space<hbm>>) dst(%arg8 : memref<64xi32, #tpu.memory_space<vmem>>)
      tpu.yield
    }) : () -> ()
    %dma_start3A = arith.constant 0 : i32
    %dma_start3A_3 = arith.constant 0 : i32
    %dma_start3A_4 = tpu.memref_slice %arg2[%dma_start3A, %dma_start3A_3] : memref<6144x768xf32, #tpu.memory_space<hbm>> -> memref<6144x768xf32, #tpu.memory_space<hbm>>
    tpu.enqueue_indirect_dma source(%dma_start3A_4 : memref<6144x768xf32, #tpu.memory_space<hbm>>) target(%arg7 : memref<64x768xf32, #tpu.memory_space<vmem>>) offsets(%arg8 : memref<64xi32, #tpu.memory_space<vmem>>) semaphore(%arg9 : memref<!tpu.dma_semaphore, #tpu.memory_space<semaphore_mem>>)
    %dma_wait3A = arith.constant 0 : i32
    %dma_wait3A_5 = arith.constant 0 : i32
    %dma_wait3A_6 = tpu.memref_slice %arg2[%dma_wait3A, %dma_wait3A_5] : memref<6144x768xf32, #tpu.memory_space<hbm>> -> memref<6144x768xf32, #tpu.memory_space<hbm>>
    tpu.wait_indirect_dma semaphore(%arg9 : memref<!tpu.dma_semaphore, #tpu.memory_space<semaphore_mem>>) src(%dma_wait3A_6 : memref<6144x768xf32, #tpu.memory_space<hbm>>) dst(%arg7 : memref<64x768xf32, #tpu.memory_space<vmem>>)
    "tpu.region"() ({
      %run_scoped3A = tpu.sem_alloc : memref<!tpu.dma_semaphore, #tpu.memory_space<semaphore_mem>>
      %dma_start3A_13 = arith.constant 0 : i32
      %dma_start3A_14 = tpu.memref_slice %arg5[%mul3A_2, %dma_start3A_13] : memref<2048x768xf32, #tpu.memory_space<hbm>> -> memref<64x768xf32, #tpu.memory_space<hbm>>
      %dma_start3A_15 = arith.constant 0 : i32
      %dma_start3A_16 = tpu.memref_slice %arg5[%mul3A_2, %dma_start3A_15] : memref<2048x768xf32, #tpu.memory_space<hbm>> -> memref<64x768xf32, #tpu.memory_space<hbm>>
      tpu.enqueue_dma source(%arg7 : memref<64x768xf32, #tpu.memory_space<vmem>>) target(%dma_start3A_16 : memref<64x768xf32, #tpu.memory_space<hbm>>) target_semaphore(%run_scoped3A : memref<!tpu.dma_semaphore, #tpu.memory_space<semaphore_mem>>)
      %dma_wait3A_17 = arith.constant 0 : i32
      %dma_wait3A_18 = tpu.memref_slice %arg5[%mul3A_2, %dma_wait3A_17] : memref<2048x768xf32, #tpu.memory_space<hbm>> -> memref<64x768xf32, #tpu.memory_space<hbm>>
      %dma_wait3A_19 = arith.constant 0 : i32
      %dma_wait3A_20 = tpu.memref_slice %arg5[%mul3A_2, %dma_wait3A_19] : memref<2048x768xf32, #tpu.memory_space<hbm>> -> memref<64x768xf32, #tpu.memory_space<hbm>>
      tpu.wait_dma2 semaphore(%run_scoped3A : memref<!tpu.dma_semaphore, #tpu.memory_space<semaphore_mem>>) src(%arg7 : memref<64x768xf32, #tpu.memory_space<vmem>>) dst(%dma_wait3A_20 : memref<64x768xf32, #tpu.memory_space<hbm>>)
      tpu.yield
    }) : () -> ()
    "tpu.region"() ({
      %run_scoped3A = tpu.sem_alloc : memref<!tpu.dma_semaphore, #tpu.memory_space<semaphore_mem>>
      %dma_start3A_13 = tpu.memref_slice %arg4[%mul3A_2] : memref<2048xi32, #tpu.memory_space<hbm>> -> memref<64xi32, #tpu.memory_space<hbm>>
      %dma_start3A_14 = tpu.memref_slice %arg4[%mul3A_2] : memref<2048xi32, #tpu.memory_space<hbm>> -> memref<64xi32, #tpu.memory_space<hbm>>
      tpu.enqueue_dma source(%dma_start3A_14 : memref<64xi32, #tpu.memory_space<hbm>>) target(%arg8 : memref<64xi32, #tpu.memory_space<vmem>>) target_semaphore(%run_scoped3A : memref<!tpu.dma_semaphore, #tpu.memory_space<semaphore_mem>>)
      %dma_wait3A_15 = tpu.memref_slice %arg4[%mul3A_2] : memref<2048xi32, #tpu.memory_space<hbm>> -> memref<64xi32, #tpu.memory_space<hbm>>
      %dma_wait3A_16 = tpu.memref_slice %arg4[%mul3A_2] : memref<2048xi32, #tpu.memory_space<hbm>> -> memref<64xi32, #tpu.memory_space<hbm>>
      tpu.wait_dma2 semaphore(%run_scoped3A : memref<!tpu.dma_semaphore, #tpu.memory_space<semaphore_mem>>) src(%dma_wait3A_16 : memref<64xi32, #tpu.memory_space<hbm>>) dst(%arg8 : memref<64xi32, #tpu.memory_space<vmem>>)
      tpu.yield
    }) : () -> ()
    %dma_start3A_7 = arith.constant 0 : i32
    %dma_start3A_8 = arith.constant 0 : i32
    %dma_start3A_9 = tpu.memref_slice %arg2[%dma_start3A_7, %dma_start3A_8] : memref<6144x768xf32, #tpu.memory_space<hbm>> -> memref<6144x768xf32, #tpu.memory_space<hbm>>
    tpu.enqueue_indirect_dma source(%dma_start3A_9 : memref<6144x768xf32, #tpu.memory_space<hbm>>) target(%arg7 : memref<64x768xf32, #tpu.memory_space<vmem>>) offsets(%arg8 : memref<64xi32, #tpu.memory_space<vmem>>) semaphore(%arg9 : memref<!tpu.dma_semaphore, #tpu.memory_space<semaphore_mem>>)
    %dma_wait3A_10 = arith.constant 0 : i32
    %dma_wait3A_11 = arith.constant 0 : i32
    %dma_wait3A_12 = tpu.memref_slice %arg2[%dma_wait3A_10, %dma_wait3A_11] : memref<6144x768xf32, #tpu.memory_space<hbm>> -> memref<6144x768xf32, #tpu.memory_space<hbm>>
    tpu.wait_indirect_dma semaphore(%arg9 : memref<!tpu.dma_semaphore, #tpu.memory_space<semaphore_mem>>) src(%dma_wait3A_12 : memref<6144x768xf32, #tpu.memory_space<hbm>>) dst(%arg7 : memref<64x768xf32, #tpu.memory_space<vmem>>)
    "tpu.region"() ({
      %run_scoped3A = tpu.sem_alloc : memref<!tpu.dma_semaphore, #tpu.memory_space<semaphore_mem>>
      %dma_start3A_13 = arith.constant 0 : i32
      %dma_start3A_14 = tpu.memref_slice %arg6[%mul3A_2, %dma_start3A_13] : memref<2048x768xf32, #tpu.memory_space<hbm>> -> memref<64x768xf32, #tpu.memory_space<hbm>>
      %dma_start3A_15 = arith.constant 0 : i32
      %dma_start3A_16 = tpu.memref_slice %arg6[%mul3A_2, %dma_start3A_15] : memref<2048x768xf32, #tpu.memory_space<hbm>> -> memref<64x768xf32, #tpu.memory_space<hbm>>
      tpu.enqueue_dma source(%arg7 : memref<64x768xf32, #tpu.memory_space<vmem>>) target(%dma_start3A_16 : memref<64x768xf32, #tpu.memory_space<hbm>>) target_semaphore(%run_scoped3A : memref<!tpu.dma_semaphore, #tpu.memory_space<semaphore_mem>>)
      %dma_wait3A_17 = arith.constant 0 : i32
      %dma_wait3A_18 = tpu.memref_slice %arg6[%mul3A_2, %dma_wait3A_17] : memref<2048x768xf32, #tpu.memory_space<hbm>> -> memref<64x768xf32, #tpu.memory_space<hbm>>
      %dma_wait3A_19 = arith.constant 0 : i32
      %dma_wait3A_20 = tpu.memref_slice %arg6[%mul3A_2, %dma_wait3A_19] : memref<2048x768xf32, #tpu.memory_space<hbm>> -> memref<64x768xf32, #tpu.memory_space<hbm>>
      tpu.wait_dma2 semaphore(%run_scoped3A : memref<!tpu.dma_semaphore, #tpu.memory_space<semaphore_mem>>) src(%arg7 : memref<64x768xf32, #tpu.memory_space<vmem>>) dst(%dma_wait3A_20 : memref<64x768xf32, #tpu.memory_space<hbm>>)
      tpu.yield
    }) : () -> ()
    return
  }
}

#map = affine_map<(d0, d1) -> (0, 0)>
#map1 = affine_map<(d0, d1) -> (0)>
module attributes {stable_mosaic.version = 14 : i64} {
  func.func @sc_dispatch(%arg0: i32, %arg1: i32, %arg2: memref<2048x768xf32, #tpu.memory_space<hbm>>, %arg3: memref<2048xi32, #tpu.memory_space<hbm>>, %arg4: memref<2048xi32, #tpu.memory_space<hbm>>, %arg5: memref<6144x768xf32, #tpu.memory_space<hbm>>, %arg6: memref<64x768xf32, #tpu.memory_space<vmem>>, %arg7: memref<64xi32, #tpu.memory_space<vmem>>, %arg8: memref<!tpu.dma_semaphore, #tpu.memory_space<semaphore_mem>>) attributes {dimension_semantics = [#tpu.dimension_semantics<core_parallel>, #tpu.dimension_semantics<subcore_parallel>], iteration_bounds = array<i64: 2, 16>, scalar_prefetch = 0 : i64, scratch_operands = 3 : i64, tpu.core_type = #tpu.core_type<sc_vector_subcore>, window_params = [{transform_indices = #map}, {transform_indices = #map1}, {transform_indices = #map1}, {transform_indices = #map}]} {
    %mul3A = arith.constant 2 : i32
    %mul3A_0 = arith.muli %arg1, %mul3A : i32
    %add3A = arith.addi %mul3A_0, %arg0 : i32
    %mul3A_1 = arith.constant 64 : i32
    %mul3A_2 = arith.muli %add3A, %mul3A_1 : i32
    "tpu.region"() ({
      %run_scoped3A = tpu.sem_alloc : memref<!tpu.dma_semaphore, #tpu.memory_space<semaphore_mem>>
      %dma_start3A_13 = arith.constant 0 : i32
      %dma_start3A_14 = tpu.memref_slice %arg2[%mul3A_2, %dma_start3A_13] : memref<2048x768xf32, #tpu.memory_space<hbm>> -> memref<64x768xf32, #tpu.memory_space<hbm>>
      %dma_start3A_15 = arith.constant 0 : i32
      %dma_start3A_16 = tpu.memref_slice %arg2[%mul3A_2, %dma_start3A_15] : memref<2048x768xf32, #tpu.memory_space<hbm>> -> memref<64x768xf32, #tpu.memory_space<hbm>>
      tpu.enqueue_dma source(%dma_start3A_16 : memref<64x768xf32, #tpu.memory_space<hbm>>) target(%arg6 : memref<64x768xf32, #tpu.memory_space<vmem>>) target_semaphore(%run_scoped3A : memref<!tpu.dma_semaphore, #tpu.memory_space<semaphore_mem>>)
      %dma_wait3A_17 = arith.constant 0 : i32
      %dma_wait3A_18 = tpu.memref_slice %arg2[%mul3A_2, %dma_wait3A_17] : memref<2048x768xf32, #tpu.memory_space<hbm>> -> memref<64x768xf32, #tpu.memory_space<hbm>>
      %dma_wait3A_19 = arith.constant 0 : i32
      %dma_wait3A_20 = tpu.memref_slice %arg2[%mul3A_2, %dma_wait3A_19] : memref<2048x768xf32, #tpu.memory_space<hbm>> -> memref<64x768xf32, #tpu.memory_space<hbm>>
      tpu.wait_dma2 semaphore(%run_scoped3A : memref<!tpu.dma_semaphore, #tpu.memory_space<semaphore_mem>>) src(%dma_wait3A_20 : memref<64x768xf32, #tpu.memory_space<hbm>>) dst(%arg6 : memref<64x768xf32, #tpu.memory_space<vmem>>)
      tpu.yield
    }) : () -> ()
    "tpu.region"() ({
      %run_scoped3A = tpu.sem_alloc : memref<!tpu.dma_semaphore, #tpu.memory_space<semaphore_mem>>
      %dma_start3A_13 = tpu.memref_slice %arg3[%mul3A_2] : memref<2048xi32, #tpu.memory_space<hbm>> -> memref<64xi32, #tpu.memory_space<hbm>>
      %dma_start3A_14 = tpu.memref_slice %arg3[%mul3A_2] : memref<2048xi32, #tpu.memory_space<hbm>> -> memref<64xi32, #tpu.memory_space<hbm>>
      tpu.enqueue_dma source(%dma_start3A_14 : memref<64xi32, #tpu.memory_space<hbm>>) target(%arg7 : memref<64xi32, #tpu.memory_space<vmem>>) target_semaphore(%run_scoped3A : memref<!tpu.dma_semaphore, #tpu.memory_space<semaphore_mem>>)
      %dma_wait3A_15 = tpu.memref_slice %arg3[%mul3A_2] : memref<2048xi32, #tpu.memory_space<hbm>> -> memref<64xi32, #tpu.memory_space<hbm>>
      %dma_wait3A_16 = tpu.memref_slice %arg3[%mul3A_2] : memref<2048xi32, #tpu.memory_space<hbm>> -> memref<64xi32, #tpu.memory_space<hbm>>
      tpu.wait_dma2 semaphore(%run_scoped3A : memref<!tpu.dma_semaphore, #tpu.memory_space<semaphore_mem>>) src(%dma_wait3A_16 : memref<64xi32, #tpu.memory_space<hbm>>) dst(%arg7 : memref<64xi32, #tpu.memory_space<vmem>>)
      tpu.yield
    }) : () -> ()
    %dma_start3A = arith.constant 0 : i32
    %dma_start3A_3 = arith.constant 0 : i32
    %dma_start3A_4 = tpu.memref_slice %arg5[%dma_start3A, %dma_start3A_3] : memref<6144x768xf32, #tpu.memory_space<hbm>> -> memref<6144x768xf32, #tpu.memory_space<hbm>>
    tpu.enqueue_indirect_dma source(%arg6 : memref<64x768xf32, #tpu.memory_space<vmem>>) target(%dma_start3A_4 : memref<6144x768xf32, #tpu.memory_space<hbm>>) offsets(%arg7 : memref<64xi32, #tpu.memory_space<vmem>>) semaphore(%arg8 : memref<!tpu.dma_semaphore, #tpu.memory_space<semaphore_mem>>)
    %dma_wait3A = arith.constant 0 : i32
    %dma_wait3A_5 = arith.constant 0 : i32
    %dma_wait3A_6 = tpu.memref_slice %arg5[%dma_wait3A, %dma_wait3A_5] : memref<6144x768xf32, #tpu.memory_space<hbm>> -> memref<6144x768xf32, #tpu.memory_space<hbm>>
    tpu.wait_indirect_dma semaphore(%arg8 : memref<!tpu.dma_semaphore, #tpu.memory_space<semaphore_mem>>) src(%arg6 : memref<64x768xf32, #tpu.memory_space<vmem>>) dst(%dma_wait3A_6 : memref<6144x768xf32, #tpu.memory_space<hbm>>)
    "tpu.region"() ({
      %run_scoped3A = tpu.sem_alloc : memref<!tpu.dma_semaphore, #tpu.memory_space<semaphore_mem>>
      %dma_start3A_13 = tpu.memref_slice %arg4[%mul3A_2] : memref<2048xi32, #tpu.memory_space<hbm>> -> memref<64xi32, #tpu.memory_space<hbm>>
      %dma_start3A_14 = tpu.memref_slice %arg4[%mul3A_2] : memref<2048xi32, #tpu.memory_space<hbm>> -> memref<64xi32, #tpu.memory_space<hbm>>
      tpu.enqueue_dma source(%dma_start3A_14 : memref<64xi32, #tpu.memory_space<hbm>>) target(%arg7 : memref<64xi32, #tpu.memory_space<vmem>>) target_semaphore(%run_scoped3A : memref<!tpu.dma_semaphore, #tpu.memory_space<semaphore_mem>>)
      %dma_wait3A_15 = tpu.memref_slice %arg4[%mul3A_2] : memref<2048xi32, #tpu.memory_space<hbm>> -> memref<64xi32, #tpu.memory_space<hbm>>
      %dma_wait3A_16 = tpu.memref_slice %arg4[%mul3A_2] : memref<2048xi32, #tpu.memory_space<hbm>> -> memref<64xi32, #tpu.memory_space<hbm>>
      tpu.wait_dma2 semaphore(%run_scoped3A : memref<!tpu.dma_semaphore, #tpu.memory_space<semaphore_mem>>) src(%dma_wait3A_16 : memref<64xi32, #tpu.memory_space<hbm>>) dst(%arg7 : memref<64xi32, #tpu.memory_space<vmem>>)
      tpu.yield
    }) : () -> ()
    %dma_start3A_7 = arith.constant 0 : i32
    %dma_start3A_8 = arith.constant 0 : i32
    %dma_start3A_9 = tpu.memref_slice %arg5[%dma_start3A_7, %dma_start3A_8] : memref<6144x768xf32, #tpu.memory_space<hbm>> -> memref<6144x768xf32, #tpu.memory_space<hbm>>
    tpu.enqueue_indirect_dma source(%arg6 : memref<64x768xf32, #tpu.memory_space<vmem>>) target(%dma_start3A_9 : memref<6144x768xf32, #tpu.memory_space<hbm>>) offsets(%arg7 : memref<64xi32, #tpu.memory_space<vmem>>) semaphore(%arg8 : memref<!tpu.dma_semaphore, #tpu.memory_space<semaphore_mem>>)
    %dma_wait3A_10 = arith.constant 0 : i32
    %dma_wait3A_11 = arith.constant 0 : i32
    %dma_wait3A_12 = tpu.memref_slice %arg5[%dma_wait3A_10, %dma_wait3A_11] : memref<6144x768xf32, #tpu.memory_space<hbm>> -> memref<6144x768xf32, #tpu.memory_space<hbm>>
    tpu.wait_indirect_dma semaphore(%arg8 : memref<!tpu.dma_semaphore, #tpu.memory_space<semaphore_mem>>) src(%arg6 : memref<64x768xf32, #tpu.memory_space<vmem>>) dst(%dma_wait3A_12 : memref<6144x768xf32, #tpu.memory_space<hbm>>)
    return
  }
}

module attributes {stable_mosaic.version = 14 : i64} {
  func.func @_router_kernel(%arg0: memref<2048x768xf32, #tpu.memory_space<vmem>>, %arg1: memref<8x768xf32, #tpu.memory_space<vmem>>, %arg2: memref<8xf32, #tpu.memory_space<vmem>>, %arg3: memref<2x2048xi32, #tpu.memory_space<vmem>>, %arg4: memref<2048x128xf32, #tpu.memory_space<vmem>>, %arg5: memref<1x128xi32, #tpu.memory_space<vmem>>, %arg6: memref<1x128xi32, #tpu.memory_space<vmem>>, %arg7: memref<1x128xi32, #tpu.memory_space<vmem>>, %arg8: memref<1x128xi32, #tpu.memory_space<vmem>>, %arg9: memref<1x1xf32, #tpu.memory_space<smem>>) attributes {dimension_semantics = [], scalar_prefetch = 0 : i64, scratch_operands = 0 : i64, tpu.core_type = #tpu.core_type<tc>} {
    %get3A = arith.constant 0 : index
    %get3A_0 = arith.constant 0 : index
    %get3A_1 = vector.load %arg0[%get3A, %get3A_0] : memref<2048x768xf32, #tpu.memory_space<vmem>>, vector<2048x768xf32>
    %get3A_2 = arith.constant 0 : index
    %get3A_3 = arith.constant 0 : index
    %get3A_4 = vector.load %arg1[%get3A_2, %get3A_3] : memref<8x768xf32, #tpu.memory_space<vmem>>, vector<8x768xf32>
    %dot_general3A = arith.constant dense<0.000000e+00> : vector<2048x8xf32>
    %dot_general3A_5 = tpu.matmul %get3A_1, %get3A_4, %dot_general3A {dimension_numbers = #tpu.dot_dimension_numbers<[1], [1], [0], [0], [0, 0, 1, 0], [], []>, transpose_lhs_hint = false} : vector<2048x768xf32>, vector<8x768xf32>, vector<2048x8xf32> -> vector<2048x8xf32>
    %get3A_6 = arith.constant 0 : index
    %get3A_7 = vector.load %arg2[%get3A_6] : memref<8xf32, #tpu.memory_space<vmem>>, vector<8xf32>
    %broadcast_in_dim3A = vector.shape_cast %get3A_7 : vector<8xf32> to vector<1x8xf32>
    %add3A = vector.broadcast %broadcast_in_dim3A : vector<1x8xf32> to vector<2048x8xf32>
    %add3A_8 = arith.addf %dot_general3A_5, %add3A : vector<2048x8xf32>
    %iota3A = tpu.iota {dimensions = array<i32: 1>} : vector<2048x8xi32>
    %reduce_max3A = arith.constant dense<0xFF800000> : vector<2048xf32>
    %reduce_max3A_9 = vector.multi_reduction <maximumf>, %add3A_8, %reduce_max3A [1] : vector<2048x8xf32> to vector<2048xf32>
    %broadcast_in_dim3A_10 = vector.shape_cast %reduce_max3A_9 : vector<2048xf32> to vector<2048x1xf32>
    %eq3A = vector.broadcast %broadcast_in_dim3A_10 : vector<2048x1xf32> to vector<2048x8xf32>
    %eq3A_11 = arith.cmpf oeq, %add3A_8, %eq3A : vector<2048x8xf32>
    %jit3A = arith.constant 8 : i32
    %broadcast_in_dim3A_12 = vector.broadcast %jit3A : i32 to vector<2048x8xi32>
    %select_n3A = arith.select %eq3A_11, %iota3A, %broadcast_in_dim3A_12 : vector<2048x8xi1>, vector<2048x8xi32>
    %reduce_min3A = arith.constant dense<2147483647> : vector<2048xi32>
    %reduce_min3A_13 = vector.multi_reduction <minsi>, %select_n3A, %reduce_min3A [1] : vector<2048x8xi32> to vector<2048xi32>
    %broadcast_in_dim3A_14 = vector.shape_cast %reduce_min3A_13 : vector<2048xi32> to vector<2048x1xi32>
    %eq3A_15 = vector.broadcast %broadcast_in_dim3A_14 : vector<2048x1xi32> to vector<2048x8xi32>
    %eq3A_16 = arith.cmpi eq, %iota3A, %eq3A_15 : vector<2048x8xi32>
    %jit3A_17 = arith.constant 0xFF800000 : f32
    %broadcast_in_dim3A_18 = vector.broadcast %jit3A_17 : f32 to vector<2048x8xf32>
    %select_n3A_19 = arith.select %eq3A_16, %broadcast_in_dim3A_18, %add3A_8 : vector<2048x8xi1>, vector<2048x8xf32>
    %reduce_max3A_20 = arith.constant dense<0xFF800000> : vector<2048xf32>
    %reduce_max3A_21 = vector.multi_reduction <maximumf>, %select_n3A_19, %reduce_max3A_20 [1] : vector<2048x8xf32> to vector<2048xf32>
    %broadcast_in_dim3A_22 = vector.shape_cast %reduce_max3A_21 : vector<2048xf32> to vector<2048x1xf32>
    %eq3A_23 = vector.broadcast %broadcast_in_dim3A_22 : vector<2048x1xf32> to vector<2048x8xf32>
    %eq3A_24 = arith.cmpf oeq, %select_n3A_19, %eq3A_23 : vector<2048x8xf32>
    %jit3A_25 = arith.constant 8 : i32
    %broadcast_in_dim3A_26 = vector.broadcast %jit3A_25 : i32 to vector<2048x8xi32>
    %select_n3A_27 = arith.select %eq3A_24, %iota3A, %broadcast_in_dim3A_26 : vector<2048x8xi1>, vector<2048x8xi32>
    %reduce_min3A_28 = arith.constant dense<2147483647> : vector<2048xi32>
    %reduce_min3A_29 = vector.multi_reduction <minsi>, %select_n3A_27, %reduce_min3A_28 [1] : vector<2048x8xi32> to vector<2048xi32>
    %broadcast_in_dim3A_30 = vector.shape_cast %reduce_min3A_29 : vector<2048xi32> to vector<2048x1xi32>
    %sub3A = arith.subf %broadcast_in_dim3A_22, %broadcast_in_dim3A_10 : vector<2048x1xf32>
    %exp3A = math.exp %sub3A : vector<2048x1xf32>
    %add3A_31 = arith.constant 1.000000e+00 : f32
    %add3A_32 = vector.broadcast %add3A_31 : f32 to vector<2048x1xf32>
    %add3A_33 = arith.addf %add3A_32, %exp3A : vector<2048x1xf32>
    %div3A = arith.constant 1.000000e+00 : f32
    %div3A_34 = vector.broadcast %div3A : f32 to vector<2048x1xf32>
    %div3A_35 = arith.divf %div3A_34, %add3A_33 : vector<2048x1xf32>
    %add3A_36 = arith.constant 1.000000e+00 : f32
    %add3A_37 = vector.broadcast %add3A_36 : f32 to vector<2048x1xf32>
    %add3A_38 = arith.addf %add3A_37, %exp3A : vector<2048x1xf32>
    %div3A_39 = arith.divf %exp3A, %add3A_38 : vector<2048x1xf32>
    %eq3A_40 = vector.broadcast %broadcast_in_dim3A_14 : vector<2048x1xi32> to vector<2048x8xi32>
    %eq3A_41 = arith.cmpi eq, %iota3A, %eq3A_40 : vector<2048x8xi32>
    %convert_element_type3A = arith.extui %eq3A_41 : vector<2048x8xi1> to vector<2048x8xi32>
    %convert_element_type3A_42 = arith.sitofp %convert_element_type3A : vector<2048x8xi32> to vector<2048x8xf32>
    %eq3A_43 = vector.broadcast %broadcast_in_dim3A_30 : vector<2048x1xi32> to vector<2048x8xi32>
    %eq3A_44 = arith.cmpi eq, %iota3A, %eq3A_43 : vector<2048x8xi32>
    %convert_element_type3A_45 = arith.extui %eq3A_44 : vector<2048x8xi1> to vector<2048x8xi32>
    %convert_element_type3A_46 = arith.sitofp %convert_element_type3A_45 : vector<2048x8xi32> to vector<2048x8xf32>
    %add3A_47 = arith.addf %convert_element_type3A_42, %convert_element_type3A_46 : vector<2048x8xf32>
    %reduce_sum3A = arith.constant dense<0.000000e+00> : vector<8xf32>
    %reduce_sum3A_48 = vector.multi_reduction <add>, %add3A_47, %reduce_sum3A [0] : vector<2048x8xf32> to vector<8xf32>
    %reduce_max3A_49 = arith.constant dense<0xFF800000> : vector<2048xf32>
    %reduce_max3A_50 = vector.multi_reduction <maximumf>, %add3A_8, %reduce_max3A_49 [1] : vector<2048x8xf32> to vector<2048xf32>
    %max3A = arith.constant 0xFF800000 : f32
    %max3A_51 = vector.broadcast %max3A : f32 to vector<2048xf32>
    %max3A_52 = arith.maximumf %max3A_51, %reduce_max3A_50 : vector<2048xf32>
    %broadcast_in_dim3A_53 = vector.shape_cast %max3A_52 : vector<2048xf32> to vector<2048x1xf32>
    %sub3A_54 = vector.broadcast %broadcast_in_dim3A_53 : vector<2048x1xf32> to vector<2048x8xf32>
    %sub3A_55 = arith.subf %add3A_8, %sub3A_54 : vector<2048x8xf32>
    %exp3A_56 = math.exp %sub3A_55 : vector<2048x8xf32>
    %reduce_sum3A_57 = arith.constant dense<0.000000e+00> : vector<2048xf32>
    %reduce_sum3A_58 = vector.multi_reduction <add>, %exp3A_56, %reduce_sum3A_57 [1] : vector<2048x8xf32> to vector<2048xf32>
    %broadcast_in_dim3A_59 = vector.shape_cast %reduce_sum3A_58 : vector<2048xf32> to vector<2048x1xf32>
    %div3A_60 = vector.broadcast %broadcast_in_dim3A_59 : vector<2048x1xf32> to vector<2048x8xf32>
    %div3A_61 = arith.divf %exp3A_56, %div3A_60 : vector<2048x8xf32>
    %reduce_sum3A_62 = arith.constant dense<0.000000e+00> : vector<8xf32>
    %reduce_sum3A_63 = vector.multi_reduction <add>, %div3A_61, %reduce_sum3A_62 [0] : vector<2048x8xf32> to vector<8xf32>
    %div3A_64 = arith.constant 2.048000e+03 : f32
    %div3A_65 = vector.broadcast %div3A_64 : f32 to vector<8xf32>
    %div3A_66 = arith.divf %reduce_sum3A_63, %div3A_65 : vector<8xf32>
    %reduce_sum3A_67 = vector.shape_cast %reduce_sum3A_48 : vector<8xf32> to vector<1x8xf32>
    %reduce_sum3A_68 = arith.constant dense<0.000000e+00> : vector<1xf32>
    %reduce_sum3A_69 = vector.multi_reduction <add>, %reduce_sum3A_67, %reduce_sum3A_68 [1] : vector<1x8xf32> to vector<1xf32>
    %reduce_sum3A_70 = vector.shape_cast %reduce_sum3A_69 : vector<1xf32> to vector<1x1xf32>
    %reduce_sum3A_71 = vector.extract %reduce_sum3A_70[0, 0] : f32 from vector<1x1xf32>
    %div3A_72 = vector.broadcast %reduce_sum3A_71 : f32 to vector<8xf32>
    %div3A_73 = arith.divf %reduce_sum3A_48, %div3A_72 : vector<8xf32>
    %reduce_sum3A_74 = vector.shape_cast %div3A_66 : vector<8xf32> to vector<1x8xf32>
    %reduce_sum3A_75 = arith.constant dense<0.000000e+00> : vector<1xf32>
    %reduce_sum3A_76 = vector.multi_reduction <add>, %reduce_sum3A_74, %reduce_sum3A_75 [1] : vector<1x8xf32> to vector<1xf32>
    %reduce_sum3A_77 = vector.shape_cast %reduce_sum3A_76 : vector<1xf32> to vector<1x1xf32>
    %reduce_sum3A_78 = vector.extract %reduce_sum3A_77[0, 0] : f32 from vector<1x1xf32>
    %div3A_79 = vector.broadcast %reduce_sum3A_78 : f32 to vector<8xf32>
    %div3A_80 = arith.divf %div3A_66, %div3A_79 : vector<8xf32>
    %mul3A = arith.mulf %div3A_73, %div3A_80 : vector<8xf32>
    %reduce_sum3A_81 = vector.shape_cast %mul3A : vector<8xf32> to vector<1x8xf32>
    %reduce_sum3A_82 = arith.constant dense<0.000000e+00> : vector<1xf32>
    %reduce_sum3A_83 = vector.multi_reduction <add>, %reduce_sum3A_81, %reduce_sum3A_82 [1] : vector<1x8xf32> to vector<1xf32>
    %reduce_sum3A_84 = vector.shape_cast %reduce_sum3A_83 : vector<1xf32> to vector<1x1xf32>
    %reduce_sum3A_85 = vector.extract %reduce_sum3A_84[0, 0] : f32 from vector<1x1xf32>
    %mul3A_86 = arith.constant 8.000000e+00 : f32
    %mul3A_87 = arith.mulf %reduce_sum3A_85, %mul3A_86 : f32
    %swap3A = arith.constant 0 : index
    %swap3A_88 = arith.constant 0 : index
    %swap3A_89 = memref.load %arg9[%swap3A, %swap3A_88] : memref<1x1xf32, #tpu.memory_space<smem>>
    memref.store %mul3A_87, %arg9[%swap3A, %swap3A_88] : memref<1x1xf32, #tpu.memory_space<smem>>
    %add3A_90 = arith.addf %convert_element_type3A_42, %convert_element_type3A_46 : vector<2048x8xf32>
    %iota3A_91 = tpu.iota {dimensions = array<i32: 0>} : vector<128x128xi32>
    %iota3A_92 = tpu.iota {dimensions = array<i32: 1>} : vector<128x128xi32>
    %lt3A = arith.cmpi slt, %iota3A_92, %iota3A_91 : vector<128x128xi32>
    %convert_element_type3A_93 = arith.extui %lt3A : vector<128x128xi1> to vector<128x128xi32>
    %convert_element_type3A_94 = arith.sitofp %convert_element_type3A_93 : vector<128x128xi32> to vector<128x128xf32>
    %broadcast_in_dim3A_95 = arith.constant 0.000000e+00 : f32
    %broadcast_in_dim3A_96 = vector.broadcast %broadcast_in_dim3A_95 : f32 to vector<1x8xf32>
    %slice3A = vector.extract_strided_slice %add3A_90 {offsets = [0, 0], sizes = [128, 8], strides = [1, 1]} : vector<2048x8xf32> to vector<128x8xf32>
    %dot_general3A_97 = arith.constant dense<0.000000e+00> : vector<128x8xf32>
    %dot_general3A_98 = tpu.matmul %convert_element_type3A_94, %slice3A, %dot_general3A_97 {dimension_numbers = #tpu.dot_dimension_numbers<[1], [0], [0], [1], [0, 0, 1, 1], [], []>, precision = #tpu.contract_precision<fp32>, transpose_lhs_hint = false} : vector<128x128xf32>, vector<128x8xf32>, vector<128x8xf32> -> vector<128x8xf32>
    %add3A_99 = vector.broadcast %broadcast_in_dim3A_96 : vector<1x8xf32> to vector<128x8xf32>
    %add3A_100 = arith.addf %dot_general3A_98, %add3A_99 : vector<128x8xf32>
    %reduce_sum3A_101 = arith.constant dense<0.000000e+00> : vector<8xf32>
    %reduce_sum3A_102 = vector.multi_reduction <add>, %slice3A, %reduce_sum3A_101 [0] : vector<128x8xf32> to vector<8xf32>
    %broadcast_in_dim3A_103 = vector.shape_cast %reduce_sum3A_102 : vector<8xf32> to vector<1x8xf32>
    %add3A_104 = arith.addf %broadcast_in_dim3A_96, %broadcast_in_dim3A_103 : vector<1x8xf32>
    %slice3A_105 = vector.extract_strided_slice %add3A_90 {offsets = [128, 0], sizes = [128, 8], strides = [1, 1]} : vector<2048x8xf32> to vector<128x8xf32>
    %dot_general3A_106 = arith.constant dense<0.000000e+00> : vector<128x8xf32>
    %dot_general3A_107 = tpu.matmul %convert_element_type3A_94, %slice3A_105, %dot_general3A_106 {dimension_numbers = #tpu.dot_dimension_numbers<[1], [0], [0], [1], [0, 0, 1, 1], [], []>, precision = #tpu.contract_precision<fp32>, transpose_lhs_hint = false} : vector<128x128xf32>, vector<128x8xf32>, vector<128x8xf32> -> vector<128x8xf32>
    %add3A_108 = vector.broadcast %add3A_104 : vector<1x8xf32> to vector<128x8xf32>
    %add3A_109 = arith.addf %dot_general3A_107, %add3A_108 : vector<128x8xf32>
    %reduce_sum3A_110 = arith.constant dense<0.000000e+00> : vector<8xf32>
    %reduce_sum3A_111 = vector.multi_reduction <add>, %slice3A_105, %reduce_sum3A_110 [0] : vector<128x8xf32> to vector<8xf32>
    %broadcast_in_dim3A_112 = vector.shape_cast %reduce_sum3A_111 : vector<8xf32> to vector<1x8xf32>
    %add3A_113 = arith.addf %add3A_104, %broadcast_in_dim3A_112 : vector<1x8xf32>
    %slice3A_114 = vector.extract_strided_slice %add3A_90 {offsets = [256, 0], sizes = [128, 8], strides = [1, 1]} : vector<2048x8xf32> to vector<128x8xf32>
    %dot_general3A_115 = arith.constant dense<0.000000e+00> : vector<128x8xf32>
    %dot_general3A_116 = tpu.matmul %convert_element_type3A_94, %slice3A_114, %dot_general3A_115 {dimension_numbers = #tpu.dot_dimension_numbers<[1], [0], [0], [1], [0, 0, 1, 1], [], []>, precision = #tpu.contract_precision<fp32>, transpose_lhs_hint = false} : vector<128x128xf32>, vector<128x8xf32>, vector<128x8xf32> -> vector<128x8xf32>
    %add3A_117 = vector.broadcast %add3A_113 : vector<1x8xf32> to vector<128x8xf32>
    %add3A_118 = arith.addf %dot_general3A_116, %add3A_117 : vector<128x8xf32>
    %reduce_sum3A_119 = arith.constant dense<0.000000e+00> : vector<8xf32>
    %reduce_sum3A_120 = vector.multi_reduction <add>, %slice3A_114, %reduce_sum3A_119 [0] : vector<128x8xf32> to vector<8xf32>
    %broadcast_in_dim3A_121 = vector.shape_cast %reduce_sum3A_120 : vector<8xf32> to vector<1x8xf32>
    %add3A_122 = arith.addf %add3A_113, %broadcast_in_dim3A_121 : vector<1x8xf32>
    %slice3A_123 = vector.extract_strided_slice %add3A_90 {offsets = [384, 0], sizes = [128, 8], strides = [1, 1]} : vector<2048x8xf32> to vector<128x8xf32>
    %dot_general3A_124 = arith.constant dense<0.000000e+00> : vector<128x8xf32>
    %dot_general3A_125 = tpu.matmul %convert_element_type3A_94, %slice3A_123, %dot_general3A_124 {dimension_numbers = #tpu.dot_dimension_numbers<[1], [0], [0], [1], [0, 0, 1, 1], [], []>, precision = #tpu.contract_precision<fp32>, transpose_lhs_hint = false} : vector<128x128xf32>, vector<128x8xf32>, vector<128x8xf32> -> vector<128x8xf32>
    %add3A_126 = vector.broadcast %add3A_122 : vector<1x8xf32> to vector<128x8xf32>
    %add3A_127 = arith.addf %dot_general3A_125, %add3A_126 : vector<128x8xf32>
    %reduce_sum3A_128 = arith.constant dense<0.000000e+00> : vector<8xf32>
    %reduce_sum3A_129 = vector.multi_reduction <add>, %slice3A_123, %reduce_sum3A_128 [0] : vector<128x8xf32> to vector<8xf32>
    %broadcast_in_dim3A_130 = vector.shape_cast %reduce_sum3A_129 : vector<8xf32> to vector<1x8xf32>
    %add3A_131 = arith.addf %add3A_122, %broadcast_in_dim3A_130 : vector<1x8xf32>
    %slice3A_132 = vector.extract_strided_slice %add3A_90 {offsets = [512, 0], sizes = [128, 8], strides = [1, 1]} : vector<2048x8xf32> to vector<128x8xf32>
    %dot_general3A_133 = arith.constant dense<0.000000e+00> : vector<128x8xf32>
    %dot_general3A_134 = tpu.matmul %convert_element_type3A_94, %slice3A_132, %dot_general3A_133 {dimension_numbers = #tpu.dot_dimension_numbers<[1], [0], [0], [1], [0, 0, 1, 1], [], []>, precision = #tpu.contract_precision<fp32>, transpose_lhs_hint = false} : vector<128x128xf32>, vector<128x8xf32>, vector<128x8xf32> -> vector<128x8xf32>
    %add3A_135 = vector.broadcast %add3A_131 : vector<1x8xf32> to vector<128x8xf32>
    %add3A_136 = arith.addf %dot_general3A_134, %add3A_135 : vector<128x8xf32>
    %reduce_sum3A_137 = arith.constant dense<0.000000e+00> : vector<8xf32>
    %reduce_sum3A_138 = vector.multi_reduction <add>, %slice3A_132, %reduce_sum3A_137 [0] : vector<128x8xf32> to vector<8xf32>
    %broadcast_in_dim3A_139 = vector.shape_cast %reduce_sum3A_138 : vector<8xf32> to vector<1x8xf32>
    %add3A_140 = arith.addf %add3A_131, %broadcast_in_dim3A_139 : vector<1x8xf32>
    %slice3A_141 = vector.extract_strided_slice %add3A_90 {offsets = [640, 0], sizes = [128, 8], strides = [1, 1]} : vector<2048x8xf32> to vector<128x8xf32>
    %dot_general3A_142 = arith.constant dense<0.000000e+00> : vector<128x8xf32>
    %dot_general3A_143 = tpu.matmul %convert_element_type3A_94, %slice3A_141, %dot_general3A_142 {dimension_numbers = #tpu.dot_dimension_numbers<[1], [0], [0], [1], [0, 0, 1, 1], [], []>, precision = #tpu.contract_precision<fp32>, transpose_lhs_hint = false} : vector<128x128xf32>, vector<128x8xf32>, vector<128x8xf32> -> vector<128x8xf32>
    %add3A_144 = vector.broadcast %add3A_140 : vector<1x8xf32> to vector<128x8xf32>
    %add3A_145 = arith.addf %dot_general3A_143, %add3A_144 : vector<128x8xf32>
    %reduce_sum3A_146 = arith.constant dense<0.000000e+00> : vector<8xf32>
    %reduce_sum3A_147 = vector.multi_reduction <add>, %slice3A_141, %reduce_sum3A_146 [0] : vector<128x8xf32> to vector<8xf32>
    %broadcast_in_dim3A_148 = vector.shape_cast %reduce_sum3A_147 : vector<8xf32> to vector<1x8xf32>
    %add3A_149 = arith.addf %add3A_140, %broadcast_in_dim3A_148 : vector<1x8xf32>
    %slice3A_150 = vector.extract_strided_slice %add3A_90 {offsets = [768, 0], sizes = [128, 8], strides = [1, 1]} : vector<2048x8xf32> to vector<128x8xf32>
    %dot_general3A_151 = arith.constant dense<0.000000e+00> : vector<128x8xf32>
    %dot_general3A_152 = tpu.matmul %convert_element_type3A_94, %slice3A_150, %dot_general3A_151 {dimension_numbers = #tpu.dot_dimension_numbers<[1], [0], [0], [1], [0, 0, 1, 1], [], []>, precision = #tpu.contract_precision<fp32>, transpose_lhs_hint = false} : vector<128x128xf32>, vector<128x8xf32>, vector<128x8xf32> -> vector<128x8xf32>
    %add3A_153 = vector.broadcast %add3A_149 : vector<1x8xf32> to vector<128x8xf32>
    %add3A_154 = arith.addf %dot_general3A_152, %add3A_153 : vector<128x8xf32>
    %reduce_sum3A_155 = arith.constant dense<0.000000e+00> : vector<8xf32>
    %reduce_sum3A_156 = vector.multi_reduction <add>, %slice3A_150, %reduce_sum3A_155 [0] : vector<128x8xf32> to vector<8xf32>
    %broadcast_in_dim3A_157 = vector.shape_cast %reduce_sum3A_156 : vector<8xf32> to vector<1x8xf32>
    %add3A_158 = arith.addf %add3A_149, %broadcast_in_dim3A_157 : vector<1x8xf32>
    %slice3A_159 = vector.extract_strided_slice %add3A_90 {offsets = [896, 0], sizes = [128, 8], strides = [1, 1]} : vector<2048x8xf32> to vector<128x8xf32>
    %dot_general3A_160 = arith.constant dense<0.000000e+00> : vector<128x8xf32>
    %dot_general3A_161 = tpu.matmul %convert_element_type3A_94, %slice3A_159, %dot_general3A_160 {dimension_numbers = #tpu.dot_dimension_numbers<[1], [0], [0], [1], [0, 0, 1, 1], [], []>, precision = #tpu.contract_precision<fp32>, transpose_lhs_hint = false} : vector<128x128xf32>, vector<128x8xf32>, vector<128x8xf32> -> vector<128x8xf32>
    %add3A_162 = vector.broadcast %add3A_158 : vector<1x8xf32> to vector<128x8xf32>
    %add3A_163 = arith.addf %dot_general3A_161, %add3A_162 : vector<128x8xf32>
    %reduce_sum3A_164 = arith.constant dense<0.000000e+00> : vector<8xf32>
    %reduce_sum3A_165 = vector.multi_reduction <add>, %slice3A_159, %reduce_sum3A_164 [0] : vector<128x8xf32> to vector<8xf32>
    %broadcast_in_dim3A_166 = vector.shape_cast %reduce_sum3A_165 : vector<8xf32> to vector<1x8xf32>
    %add3A_167 = arith.addf %add3A_158, %broadcast_in_dim3A_166 : vector<1x8xf32>
    %slice3A_168 = vector.extract_strided_slice %add3A_90 {offsets = [1024, 0], sizes = [128, 8], strides = [1, 1]} : vector<2048x8xf32> to vector<128x8xf32>
    %dot_general3A_169 = arith.constant dense<0.000000e+00> : vector<128x8xf32>
    %dot_general3A_170 = tpu.matmul %convert_element_type3A_94, %slice3A_168, %dot_general3A_169 {dimension_numbers = #tpu.dot_dimension_numbers<[1], [0], [0], [1], [0, 0, 1, 1], [], []>, precision = #tpu.contract_precision<fp32>, transpose_lhs_hint = false} : vector<128x128xf32>, vector<128x8xf32>, vector<128x8xf32> -> vector<128x8xf32>
    %add3A_171 = vector.broadcast %add3A_167 : vector<1x8xf32> to vector<128x8xf32>
    %add3A_172 = arith.addf %dot_general3A_170, %add3A_171 : vector<128x8xf32>
    %reduce_sum3A_173 = arith.constant dense<0.000000e+00> : vector<8xf32>
    %reduce_sum3A_174 = vector.multi_reduction <add>, %slice3A_168, %reduce_sum3A_173 [0] : vector<128x8xf32> to vector<8xf32>
    %broadcast_in_dim3A_175 = vector.shape_cast %reduce_sum3A_174 : vector<8xf32> to vector<1x8xf32>
    %add3A_176 = arith.addf %add3A_167, %broadcast_in_dim3A_175 : vector<1x8xf32>
    %slice3A_177 = vector.extract_strided_slice %add3A_90 {offsets = [1152, 0], sizes = [128, 8], strides = [1, 1]} : vector<2048x8xf32> to vector<128x8xf32>
    %dot_general3A_178 = arith.constant dense<0.000000e+00> : vector<128x8xf32>
    %dot_general3A_179 = tpu.matmul %convert_element_type3A_94, %slice3A_177, %dot_general3A_178 {dimension_numbers = #tpu.dot_dimension_numbers<[1], [0], [0], [1], [0, 0, 1, 1], [], []>, precision = #tpu.contract_precision<fp32>, transpose_lhs_hint = false} : vector<128x128xf32>, vector<128x8xf32>, vector<128x8xf32> -> vector<128x8xf32>
    %add3A_180 = vector.broadcast %add3A_176 : vector<1x8xf32> to vector<128x8xf32>
    %add3A_181 = arith.addf %dot_general3A_179, %add3A_180 : vector<128x8xf32>
    %reduce_sum3A_182 = arith.constant dense<0.000000e+00> : vector<8xf32>
    %reduce_sum3A_183 = vector.multi_reduction <add>, %slice3A_177, %reduce_sum3A_182 [0] : vector<128x8xf32> to vector<8xf32>
    %broadcast_in_dim3A_184 = vector.shape_cast %reduce_sum3A_183 : vector<8xf32> to vector<1x8xf32>
    %add3A_185 = arith.addf %add3A_176, %broadcast_in_dim3A_184 : vector<1x8xf32>
    %slice3A_186 = vector.extract_strided_slice %add3A_90 {offsets = [1280, 0], sizes = [128, 8], strides = [1, 1]} : vector<2048x8xf32> to vector<128x8xf32>
    %dot_general3A_187 = arith.constant dense<0.000000e+00> : vector<128x8xf32>
    %dot_general3A_188 = tpu.matmul %convert_element_type3A_94, %slice3A_186, %dot_general3A_187 {dimension_numbers = #tpu.dot_dimension_numbers<[1], [0], [0], [1], [0, 0, 1, 1], [], []>, precision = #tpu.contract_precision<fp32>, transpose_lhs_hint = false} : vector<128x128xf32>, vector<128x8xf32>, vector<128x8xf32> -> vector<128x8xf32>
    %add3A_189 = vector.broadcast %add3A_185 : vector<1x8xf32> to vector<128x8xf32>
    %add3A_190 = arith.addf %dot_general3A_188, %add3A_189 : vector<128x8xf32>
    %reduce_sum3A_191 = arith.constant dense<0.000000e+00> : vector<8xf32>
    %reduce_sum3A_192 = vector.multi_reduction <add>, %slice3A_186, %reduce_sum3A_191 [0] : vector<128x8xf32> to vector<8xf32>
    %broadcast_in_dim3A_193 = vector.shape_cast %reduce_sum3A_192 : vector<8xf32> to vector<1x8xf32>
    %add3A_194 = arith.addf %add3A_185, %broadcast_in_dim3A_193 : vector<1x8xf32>
    %slice3A_195 = vector.extract_strided_slice %add3A_90 {offsets = [1408, 0], sizes = [128, 8], strides = [1, 1]} : vector<2048x8xf32> to vector<128x8xf32>
    %dot_general3A_196 = arith.constant dense<0.000000e+00> : vector<128x8xf32>
    %dot_general3A_197 = tpu.matmul %convert_element_type3A_94, %slice3A_195, %dot_general3A_196 {dimension_numbers = #tpu.dot_dimension_numbers<[1], [0], [0], [1], [0, 0, 1, 1], [], []>, precision = #tpu.contract_precision<fp32>, transpose_lhs_hint = false} : vector<128x128xf32>, vector<128x8xf32>, vector<128x8xf32> -> vector<128x8xf32>
    %add3A_198 = vector.broadcast %add3A_194 : vector<1x8xf32> to vector<128x8xf32>
    %add3A_199 = arith.addf %dot_general3A_197, %add3A_198 : vector<128x8xf32>
    %reduce_sum3A_200 = arith.constant dense<0.000000e+00> : vector<8xf32>
    %reduce_sum3A_201 = vector.multi_reduction <add>, %slice3A_195, %reduce_sum3A_200 [0] : vector<128x8xf32> to vector<8xf32>
    %broadcast_in_dim3A_202 = vector.shape_cast %reduce_sum3A_201 : vector<8xf32> to vector<1x8xf32>
    %add3A_203 = arith.addf %add3A_194, %broadcast_in_dim3A_202 : vector<1x8xf32>
    %slice3A_204 = vector.extract_strided_slice %add3A_90 {offsets = [1536, 0], sizes = [128, 8], strides = [1, 1]} : vector<2048x8xf32> to vector<128x8xf32>
    %dot_general3A_205 = arith.constant dense<0.000000e+00> : vector<128x8xf32>
    %dot_general3A_206 = tpu.matmul %convert_element_type3A_94, %slice3A_204, %dot_general3A_205 {dimension_numbers = #tpu.dot_dimension_numbers<[1], [0], [0], [1], [0, 0, 1, 1], [], []>, precision = #tpu.contract_precision<fp32>, transpose_lhs_hint = false} : vector<128x128xf32>, vector<128x8xf32>, vector<128x8xf32> -> vector<128x8xf32>
    %add3A_207 = vector.broadcast %add3A_203 : vector<1x8xf32> to vector<128x8xf32>
    %add3A_208 = arith.addf %dot_general3A_206, %add3A_207 : vector<128x8xf32>
    %reduce_sum3A_209 = arith.constant dense<0.000000e+00> : vector<8xf32>
    %reduce_sum3A_210 = vector.multi_reduction <add>, %slice3A_204, %reduce_sum3A_209 [0] : vector<128x8xf32> to vector<8xf32>
    %broadcast_in_dim3A_211 = vector.shape_cast %reduce_sum3A_210 : vector<8xf32> to vector<1x8xf32>
    %add3A_212 = arith.addf %add3A_203, %broadcast_in_dim3A_211 : vector<1x8xf32>
    %slice3A_213 = vector.extract_strided_slice %add3A_90 {offsets = [1664, 0], sizes = [128, 8], strides = [1, 1]} : vector<2048x8xf32> to vector<128x8xf32>
    %dot_general3A_214 = arith.constant dense<0.000000e+00> : vector<128x8xf32>
    %dot_general3A_215 = tpu.matmul %convert_element_type3A_94, %slice3A_213, %dot_general3A_214 {dimension_numbers = #tpu.dot_dimension_numbers<[1], [0], [0], [1], [0, 0, 1, 1], [], []>, precision = #tpu.contract_precision<fp32>, transpose_lhs_hint = false} : vector<128x128xf32>, vector<128x8xf32>, vector<128x8xf32> -> vector<128x8xf32>
    %add3A_216 = vector.broadcast %add3A_212 : vector<1x8xf32> to vector<128x8xf32>
    %add3A_217 = arith.addf %dot_general3A_215, %add3A_216 : vector<128x8xf32>
    %reduce_sum3A_218 = arith.constant dense<0.000000e+00> : vector<8xf32>
    %reduce_sum3A_219 = vector.multi_reduction <add>, %slice3A_213, %reduce_sum3A_218 [0] : vector<128x8xf32> to vector<8xf32>
    %broadcast_in_dim3A_220 = vector.shape_cast %reduce_sum3A_219 : vector<8xf32> to vector<1x8xf32>
    %add3A_221 = arith.addf %add3A_212, %broadcast_in_dim3A_220 : vector<1x8xf32>
    %slice3A_222 = vector.extract_strided_slice %add3A_90 {offsets = [1792, 0], sizes = [128, 8], strides = [1, 1]} : vector<2048x8xf32> to vector<128x8xf32>
    %dot_general3A_223 = arith.constant dense<0.000000e+00> : vector<128x8xf32>
    %dot_general3A_224 = tpu.matmul %convert_element_type3A_94, %slice3A_222, %dot_general3A_223 {dimension_numbers = #tpu.dot_dimension_numbers<[1], [0], [0], [1], [0, 0, 1, 1], [], []>, precision = #tpu.contract_precision<fp32>, transpose_lhs_hint = false} : vector<128x128xf32>, vector<128x8xf32>, vector<128x8xf32> -> vector<128x8xf32>
    %add3A_225 = vector.broadcast %add3A_221 : vector<1x8xf32> to vector<128x8xf32>
    %add3A_226 = arith.addf %dot_general3A_224, %add3A_225 : vector<128x8xf32>
    %reduce_sum3A_227 = arith.constant dense<0.000000e+00> : vector<8xf32>
    %reduce_sum3A_228 = vector.multi_reduction <add>, %slice3A_222, %reduce_sum3A_227 [0] : vector<128x8xf32> to vector<8xf32>
    %broadcast_in_dim3A_229 = vector.shape_cast %reduce_sum3A_228 : vector<8xf32> to vector<1x8xf32>
    %add3A_230 = arith.addf %add3A_221, %broadcast_in_dim3A_229 : vector<1x8xf32>
    %slice3A_231 = vector.extract_strided_slice %add3A_90 {offsets = [1920, 0], sizes = [128, 8], strides = [1, 1]} : vector<2048x8xf32> to vector<128x8xf32>
    %dot_general3A_232 = arith.constant dense<0.000000e+00> : vector<128x8xf32>
    %dot_general3A_233 = tpu.matmul %convert_element_type3A_94, %slice3A_231, %dot_general3A_232 {dimension_numbers = #tpu.dot_dimension_numbers<[1], [0], [0], [1], [0, 0, 1, 1], [], []>, precision = #tpu.contract_precision<fp32>, transpose_lhs_hint = false} : vector<128x128xf32>, vector<128x8xf32>, vector<128x8xf32> -> vector<128x8xf32>
    %add3A_234 = vector.broadcast %add3A_230 : vector<1x8xf32> to vector<128x8xf32>
    %add3A_235 = arith.addf %dot_general3A_233, %add3A_234 : vector<128x8xf32>
    %reduce_sum3A_236 = arith.constant dense<0.000000e+00> : vector<8xf32>
    %reduce_sum3A_237 = vector.multi_reduction <add>, %slice3A_231, %reduce_sum3A_236 [0] : vector<128x8xf32> to vector<8xf32>
    %broadcast_in_dim3A_238 = vector.shape_cast %reduce_sum3A_237 : vector<8xf32> to vector<1x8xf32>
    %add3A_239 = arith.addf %add3A_230, %broadcast_in_dim3A_238 : vector<1x8xf32>
    %concatenate3A = tpu.concatenate %add3A_100, %add3A_109, %add3A_118, %add3A_127, %add3A_136, %add3A_145, %add3A_154, %add3A_163, %add3A_172, %add3A_181, %add3A_190, %add3A_199, %add3A_208, %add3A_217, %add3A_226, %add3A_235 in 0 : vector<128x8xf32>, vector<128x8xf32>, vector<128x8xf32>, vector<128x8xf32>, vector<128x8xf32>, vector<128x8xf32>, vector<128x8xf32>, vector<128x8xf32>, vector<128x8xf32>, vector<128x8xf32>, vector<128x8xf32>, vector<128x8xf32>, vector<128x8xf32>, vector<128x8xf32>, vector<128x8xf32>, vector<128x8xf32> -> vector<2048x8xf32>
    %div3A_240 = arith.constant 2.560000e+02 : f32
    %div3A_241 = vector.broadcast %div3A_240 : f32 to vector<1x8xf32>
    %div3A_242 = arith.divf %add3A_239, %div3A_241 : vector<1x8xf32>
    %ceil3A = math.ceil %div3A_242 : vector<1x8xf32>
    %mul3A_243 = arith.constant 2.560000e+02 : f32
    %mul3A_244 = vector.broadcast %mul3A_243 : f32 to vector<1x8xf32>
    %mul3A_245 = arith.mulf %ceil3A, %mul3A_244 : vector<1x8xf32>
    %iota3A_246 = tpu.iota {dimensions = array<i32: 0>} : vector<8x8xi32>
    %iota3A_247 = tpu.iota {dimensions = array<i32: 1>} : vector<8x8xi32>
    %lt3A_248 = arith.cmpi slt, %iota3A_246, %iota3A_247 : vector<8x8xi32>
    %convert_element_type3A_249 = arith.extui %lt3A_248 : vector<8x8xi1> to vector<8x8xi32>
    %convert_element_type3A_250 = arith.sitofp %convert_element_type3A_249 : vector<8x8xi32> to vector<8x8xf32>
    %dot_general3A_251 = arith.constant dense<0.000000e+00> : vector<1x8xf32>
    %dot_general3A_252 = tpu.matmul %mul3A_245, %convert_element_type3A_250, %dot_general3A_251 {dimension_numbers = #tpu.dot_dimension_numbers<[1], [0], [0], [1], [0, 0, 1, 1], [], []>, precision = #tpu.contract_precision<fp32>, transpose_lhs_hint = false} : vector<1x8xf32>, vector<8x8xf32>, vector<1x8xf32> -> vector<1x8xf32>
    %add3A_253 = vector.broadcast %dot_general3A_252 : vector<1x8xf32> to vector<2048x8xf32>
    %add3A_254 = arith.addf %add3A_253, %concatenate3A : vector<2048x8xf32>
    %mul3A_255 = arith.mulf %convert_element_type3A_42, %add3A_254 : vector<2048x8xf32>
    %reduce_sum3A_256 = arith.constant dense<0.000000e+00> : vector<2048xf32>
    %reduce_sum3A_257 = vector.multi_reduction <add>, %mul3A_255, %reduce_sum3A_256 [1] : vector<2048x8xf32> to vector<2048xf32>
    %mul3A_258 = arith.mulf %convert_element_type3A_46, %add3A_254 : vector<2048x8xf32>
    %reduce_sum3A_259 = arith.constant dense<0.000000e+00> : vector<2048xf32>
    %reduce_sum3A_260 = vector.multi_reduction <add>, %mul3A_258, %reduce_sum3A_259 [1] : vector<2048x8xf32> to vector<2048xf32>
    %broadcast_in_dim3A_261 = vector.shape_cast %reduce_sum3A_257 : vector<2048xf32> to vector<1x2048xf32>
    %broadcast_in_dim3A_262 = vector.shape_cast %reduce_sum3A_260 : vector<2048xf32> to vector<1x2048xf32>
    %concatenate3A_263 = tpu.concatenate %broadcast_in_dim3A_261, %broadcast_in_dim3A_262 in 0 : vector<1x2048xf32>, vector<1x2048xf32> -> vector<2x2048xf32>
    %convert_element_type3A_264 = arith.fptosi %concatenate3A_263 : vector<2x2048xf32> to vector<2x2048xi32>
    %swap3A_265 = arith.constant 0 : index
    %swap3A_266 = arith.constant 0 : index
    %swap3A_267 = vector.load %arg3[%swap3A_265, %swap3A_266] : memref<2x2048xi32, #tpu.memory_space<vmem>>, vector<2x2048xi32>
    tpu.vector_store %arg3[%swap3A_265, %swap3A_266], %convert_element_type3A_264 {strides = array<i32>} : memref<2x2048xi32, #tpu.memory_space<vmem>>, vector<2x2048xi32>,
    %iota3A_268 = tpu.iota {dimensions = array<i32: 1>} : vector<2048x128xi32>
    %eq3A_269 = arith.constant 0 : i32
    %eq3A_270 = vector.broadcast %eq3A_269 : i32 to vector<2048x128xi32>
    %eq3A_271 = arith.cmpi eq, %iota3A_268, %eq3A_270 : vector<2048x128xi32>
    %convert_element_type3A_272 = arith.extui %eq3A_271 : vector<2048x128xi1> to vector<2048x128xi32>
    %convert_element_type3A_273 = arith.sitofp %convert_element_type3A_272 : vector<2048x128xi32> to vector<2048x128xf32>
    %mul3A_274 = vector.broadcast %div3A_35 : vector<2048x1xf32> to vector<2048x128xf32>
    %mul3A_275 = arith.mulf %mul3A_274, %convert_element_type3A_273 : vector<2048x128xf32>
    %eq3A_276 = arith.constant 1 : i32
    %eq3A_277 = vector.broadcast %eq3A_276 : i32 to vector<2048x128xi32>
    %eq3A_278 = arith.cmpi eq, %iota3A_268, %eq3A_277 : vector<2048x128xi32>
    %convert_element_type3A_279 = arith.extui %eq3A_278 : vector<2048x128xi1> to vector<2048x128xi32>
    %convert_element_type3A_280 = arith.sitofp %convert_element_type3A_279 : vector<2048x128xi32> to vector<2048x128xf32>
    %mul3A_281 = vector.broadcast %div3A_39 : vector<2048x1xf32> to vector<2048x128xf32>
    %mul3A_282 = arith.mulf %mul3A_281, %convert_element_type3A_280 : vector<2048x128xf32>
    %add3A_283 = arith.addf %mul3A_275, %mul3A_282 : vector<2048x128xf32>
    %swap3A_284 = arith.constant 0 : index
    %swap3A_285 = arith.constant 0 : index
    %swap3A_286 = vector.load %arg4[%swap3A_284, %swap3A_285] : memref<2048x128xf32, #tpu.memory_space<vmem>>, vector<2048x128xf32>
    tpu.vector_store %arg4[%swap3A_284, %swap3A_285], %add3A_283 {strides = array<i32>} : memref<2048x128xf32, #tpu.memory_space<vmem>>, vector<2048x128xf32>,
    %reduce_sum3A_287 = vector.shape_cast %mul3A_245 : vector<1x8xf32> to vector<1x1x8xf32>
    %reduce_sum3A_288 = arith.constant dense<0.000000e+00> : vector<1xf32>
    %reduce_sum3A_289 = vector.multi_reduction <add>, %reduce_sum3A_287, %reduce_sum3A_288 [1, 2] : vector<1x1x8xf32> to vector<1xf32>
    %reduce_sum3A_290 = vector.shape_cast %reduce_sum3A_289 : vector<1xf32> to vector<1x1x1xf32>
    %reduce_sum3A_291 = vector.extract %reduce_sum3A_290[0, 0, 0] : f32 from vector<1x1x1xf32>
    %iota3A_292 = tpu.iota {dimensions = array<i32: 0>} : vector<128x8xi32>
    %convert_element_type3A_293 = arith.sitofp %iota3A_292 : vector<128x8xi32> to vector<128x8xf32>
    %mul3A_294 = arith.constant 2.560000e+02 : f32
    %mul3A_295 = vector.broadcast %mul3A_294 : f32 to vector<128x8xf32>
    %mul3A_296 = arith.mulf %convert_element_type3A_293, %mul3A_295 : vector<128x8xf32>
    %sub3A_297 = arith.constant 1.000000e+00 : f32
    %sub3A_298 = arith.subf %reduce_sum3A_291, %sub3A_297 : f32
    %min3A = vector.broadcast %sub3A_298 : f32 to vector<128x8xf32>
    %min3A_299 = arith.minimumf %mul3A_296, %min3A : vector<128x8xf32>
    %le3A = vector.broadcast %dot_general3A_252 : vector<1x8xf32> to vector<128x8xf32>
    %le3A_300 = arith.cmpf ole, %le3A, %min3A_299 : vector<128x8xf32>
    %convert_element_type3A_301 = arith.extui %le3A_300 : vector<128x8xi1> to vector<128x8xi32>
    %convert_element_type3A_302 = arith.sitofp %convert_element_type3A_301 : vector<128x8xi32> to vector<128x8xf32>
    %reduce_sum3A_303 = arith.constant dense<0.000000e+00> : vector<128xf32>
    %reduce_sum3A_304 = vector.multi_reduction <add>, %convert_element_type3A_302, %reduce_sum3A_303 [1] : vector<128x8xf32> to vector<128xf32>
    %sub3A_305 = arith.constant 1.000000e+00 : f32
    %sub3A_306 = vector.broadcast %sub3A_305 : f32 to vector<128xf32>
    %sub3A_307 = arith.subf %reduce_sum3A_304, %sub3A_306 : vector<128xf32>
    %jit3A_308 = arith.constant 0.000000e+00 : f32
    %jit3A_309 = arith.constant 7 : i32
    %max3A_310 = vector.broadcast %jit3A_308 : f32 to vector<128xf32>
    %max3A_311 = arith.maximumf %max3A_310, %sub3A_307 : vector<128xf32>
    %convert_element_type3A_312 = arith.sitofp %jit3A_309 : i32 to f32
    %min3A_313 = vector.broadcast %convert_element_type3A_312 : f32 to vector<128xf32>
    %min3A_314 = arith.minimumf %min3A_313, %max3A_311 : vector<128xf32>
    %broadcast_in_dim3A_315 = vector.shape_cast %min3A_314 : vector<128xf32> to vector<1x128xf32>
    %convert_element_type3A_316 = arith.fptosi %broadcast_in_dim3A_315 : vector<1x128xf32> to vector<1x128xi32>
    %swap3A_317 = arith.constant 0 : index
    %swap3A_318 = arith.constant 0 : index
    %swap3A_319 = vector.load %arg5[%swap3A_317, %swap3A_318] : memref<1x128xi32, #tpu.memory_space<vmem>>, vector<1x128xi32>
    tpu.vector_store %arg5[%swap3A_317, %swap3A_318], %convert_element_type3A_316 {strides = array<i32>} : memref<1x128xi32, #tpu.memory_space<vmem>>, vector<1x128xi32>,
    %iota3A_320 = tpu.iota {dimensions = array<i32: 1>} : vector<1x128xi32>
    %convert_element_type3A_321 = arith.sitofp %iota3A_320 : vector<1x128xi32> to vector<1x128xf32>
    %mul3A_322 = arith.constant 2.560000e+02 : f32
    %mul3A_323 = vector.broadcast %mul3A_322 : f32 to vector<1x128xf32>
    %mul3A_324 = arith.mulf %convert_element_type3A_321, %mul3A_323 : vector<1x128xf32>
    %lt3A_325 = vector.broadcast %reduce_sum3A_291 : f32 to vector<1x128xf32>
    %lt3A_326 = arith.cmpf olt, %mul3A_324, %lt3A_325 : vector<1x128xf32>
    %convert_element_type3A_327 = arith.extui %lt3A_326 : vector<1x128xi1> to vector<1x128xi32>
    %div3A_328 = arith.constant 2.560000e+02 : f32
    %div3A_329 = arith.divf %reduce_sum3A_291, %div3A_328 : f32
    %sub3A_330 = arith.constant 1.000000e+00 : f32
    %sub3A_331 = arith.subf %div3A_329, %sub3A_330 : f32
    %min3A_332 = vector.broadcast %sub3A_331 : f32 to vector<1x128xf32>
    %min3A_333 = arith.minimumf %convert_element_type3A_321, %min3A_332 : vector<1x128xf32>
    %swap3A_334 = arith.constant 0 : index
    %swap3A_335 = arith.constant 0 : index
    %swap3A_336 = vector.load %arg6[%swap3A_334, %swap3A_335] : memref<1x128xi32, #tpu.memory_space<vmem>>, vector<1x128xi32>
    tpu.vector_store %arg6[%swap3A_334, %swap3A_335], %convert_element_type3A_327 {strides = array<i32>} : memref<1x128xi32, #tpu.memory_space<vmem>>, vector<1x128xi32>,
    %convert_element_type3A_337 = arith.fptosi %min3A_333 : vector<1x128xf32> to vector<1x128xi32>
    %swap3A_338 = arith.constant 0 : index
    %swap3A_339 = arith.constant 0 : index
    %swap3A_340 = vector.load %arg7[%swap3A_338, %swap3A_339] : memref<1x128xi32, #tpu.memory_space<vmem>>, vector<1x128xi32>
    tpu.vector_store %arg7[%swap3A_338, %swap3A_339], %convert_element_type3A_337 {strides = array<i32>} : memref<1x128xi32, #tpu.memory_space<vmem>>, vector<1x128xi32>,
    %broadcast_in_dim3A_341 = vector.shape_cast %min3A_314 : vector<128xf32> to vector<1x128xf32>
    %iota3A_342 = tpu.iota {dimensions = array<i32: 0>} : vector<128x128xi32>
    %iota3A_343 = tpu.iota {dimensions = array<i32: 1>} : vector<128x128xi32>
    %add3A_344 = arith.constant 1 : i32
    %add3A_345 = vector.broadcast %add3A_344 : i32 to vector<128x128xi32>
    %add3A_346 = arith.addi %iota3A_342, %add3A_345 : vector<128x128xi32>
    %eq3A_347 = arith.cmpi eq, %add3A_346, %iota3A_343 : vector<128x128xi32>
    %convert_element_type3A_348 = arith.extui %eq3A_347 : vector<128x128xi1> to vector<128x128xi32>
    %convert_element_type3A_349 = arith.sitofp %convert_element_type3A_348 : vector<128x128xi32> to vector<128x128xf32>
    %dot_general3A_350 = arith.constant dense<0.000000e+00> : vector<1x128xf32>
    %dot_general3A_351 = tpu.matmul %broadcast_in_dim3A_341, %convert_element_type3A_349, %dot_general3A_350 {dimension_numbers = #tpu.dot_dimension_numbers<[1], [0], [0], [1], [0, 0, 1, 1], [], []>, precision = #tpu.contract_precision<fp32>, transpose_lhs_hint = false} : vector<1x128xf32>, vector<128x128xf32>, vector<1x128xf32> -> vector<1x128xf32>
    %ne3A = arith.cmpf one, %broadcast_in_dim3A_341, %dot_general3A_351 : vector<1x128xf32>
    %convert_element_type3A_352 = arith.extui %ne3A : vector<1x128xi1> to vector<1x128xi32>
    %convert_element_type3A_353 = arith.sitofp %convert_element_type3A_352 : vector<1x128xi32> to vector<1x128xf32>
    %le3A_354 = arith.cmpi sle, %iota3A_342, %iota3A_343 : vector<128x128xi32>
    %convert_element_type3A_355 = arith.extui %le3A_354 : vector<128x128xi1> to vector<128x128xi32>
    %convert_element_type3A_356 = arith.sitofp %convert_element_type3A_355 : vector<128x128xi32> to vector<128x128xf32>
    %dot_general3A_357 = arith.constant dense<0.000000e+00> : vector<1x128xf32>
    %dot_general3A_358 = tpu.matmul %convert_element_type3A_353, %convert_element_type3A_356, %dot_general3A_357 {dimension_numbers = #tpu.dot_dimension_numbers<[1], [0], [0], [1], [0, 0, 1, 1], [], []>, precision = #tpu.contract_precision<fp32>, transpose_lhs_hint = false} : vector<1x128xf32>, vector<128x128xf32>, vector<1x128xf32> -> vector<1x128xf32>
    %mul3A_359 = arith.constant 5.000000e-01 : f32
    %mul3A_360 = vector.broadcast %mul3A_359 : f32 to vector<1x128xf32>
    %mul3A_361 = arith.mulf %dot_general3A_358, %mul3A_360 : vector<1x128xf32>
    %floor3A = math.floor %mul3A_361 : vector<1x128xf32>
    %mul3A_362 = arith.constant 2.000000e+00 : f32
    %mul3A_363 = vector.broadcast %mul3A_362 : f32 to vector<1x128xf32>
    %mul3A_364 = arith.mulf %mul3A_363, %floor3A : vector<1x128xf32>
    %sub3A_365 = arith.subf %dot_general3A_358, %mul3A_364 : vector<1x128xf32>
    %convert_element_type3A_366 = arith.fptosi %sub3A_365 : vector<1x128xf32> to vector<1x128xi32>
    %swap3A_367 = arith.constant 0 : index
    %swap3A_368 = arith.constant 0 : index
    %swap3A_369 = vector.load %arg8[%swap3A_367, %swap3A_368] : memref<1x128xi32, #tpu.memory_space<vmem>>, vector<1x128xi32>
    tpu.vector_store %arg8[%swap3A_367, %swap3A_368], %convert_element_type3A_366 {strides = array<i32>} : memref<1x128xi32, #tpu.memory_space<vmem>>, vector<1x128xi32>,
    return
  }
}

module attributes {stable_mosaic.version = 14 : i64} {
  func.func @_combine_kernel(%arg0: memref<2048x128xf32, #tpu.memory_space<vmem>>, %arg1: memref<2048x768xf32, #tpu.memory_space<vmem>>, %arg2: memref<2048x768xf32, #tpu.memory_space<vmem>>, %arg3: memref<2048x768xf32, #tpu.memory_space<vmem>>) attributes {dimension_semantics = [], scalar_prefetch = 0 : i64, scratch_operands = 0 : i64, tpu.core_type = #tpu.core_type<tc>} {
    %get3A = arith.constant 0 : index
    %get3A_0 = arith.constant 0 : index
    %get3A_1 = vector.load %arg0[%get3A, %get3A_0] : memref<2048x128xf32, #tpu.memory_space<vmem>>, vector<2048x1xf32>
    %get3A_2 = arith.constant 0 : index
    %get3A_3 = arith.constant 1 : index
    %get3A_4 = vector.load %arg0[%get3A_2, %get3A_3] : memref<2048x128xf32, #tpu.memory_space<vmem>>, vector<2048x1xf32>
    %get3A_5 = arith.constant 0 : index
    %get3A_6 = arith.constant 0 : index
    %get3A_7 = vector.load %arg1[%get3A_5, %get3A_6] : memref<2048x768xf32, #tpu.memory_space<vmem>>, vector<2048x768xf32>
    %mul3A = vector.broadcast %get3A_1 : vector<2048x1xf32> to vector<2048x768xf32>
    %mul3A_8 = arith.mulf %mul3A, %get3A_7 : vector<2048x768xf32>
    %get3A_9 = arith.constant 0 : index
    %get3A_10 = arith.constant 0 : index
    %get3A_11 = vector.load %arg2[%get3A_9, %get3A_10] : memref<2048x768xf32, #tpu.memory_space<vmem>>, vector<2048x768xf32>
    %mul3A_12 = vector.broadcast %get3A_4 : vector<2048x1xf32> to vector<2048x768xf32>
    %mul3A_13 = arith.mulf %mul3A_12, %get3A_11 : vector<2048x768xf32>
    %add3A = arith.addf %mul3A_8, %mul3A_13 : vector<2048x768xf32>
    %swap3A = arith.constant 0 : index
    %swap3A_14 = arith.constant 0 : index
    %swap3A_15 = vector.load %arg3[%swap3A, %swap3A_14] : memref<2048x768xf32, #tpu.memory_space<vmem>>, vector<2048x768xf32>
    tpu.vector_store %arg3[%swap3A, %swap3A_14], %add3A {strides = array<i32>} : memref<2048x768xf32, #tpu.memory_space<vmem>>, vector<2048x768xf32>,
    return
  }
}

module attributes {stable_mosaic.version = 14 : i64} {
  func.func @_expert_kernel(%arg0: i32, %arg1: memref<24xi32, #tpu.memory_space<smem>>, %arg2: memref<24xi32, #tpu.memory_space<smem>>, %arg3: memref<24xi32, #tpu.memory_space<smem>>, %arg4: memref<256x768xf32, #tpu.memory_space<vmem>>, %arg5: memref<1x3072x768xf32, #tpu.memory_space<vmem>>, %arg6: memref<1x768x1536xf32, #tpu.memory_space<vmem>>, %arg7: memref<256x768xf32, #tpu.memory_space<vmem>>) attributes {dimension_semantics = [#tpu.dimension_semantics<arbitrary>], iteration_bounds = array<i64: 24>, scalar_prefetch = 3 : i64, scratch_operands = 0 : i64, tpu.core_type = #tpu.core_type<tc>, window_params = [{transform_indices = @transform_0, window_bounds = array<i64: 256, 768>}, {transform_indices = @transform_1, window_bounds = array<i64: 1, 3072, 768>}, {transform_indices = @transform_2, window_bounds = array<i64: 1, 768, 1536>}, {transform_indices = @transform_3, window_bounds = array<i64: 256, 768>}]} {
    %get3A = arith.index_cast %arg0 : i32 to index
    %get3A_0 = memref.load %arg3[%get3A] : memref<24xi32, #tpu.memory_space<smem>>
    %ne3A = arith.constant 0 : i32
    %ne3A_1 = arith.cmpi ne, %get3A_0, %ne3A : i32
    %convert_element_type3A = arith.extui %ne3A_1 : i1 to i32
    %cond3A = arith.constant 0 : i32
    %cond3A_2 = arith.cmpi ne, %convert_element_type3A, %cond3A : i32
    scf.if %cond3A_2 {
      %get3A_3 = arith.constant 0 : index
      %get3A_4 = arith.constant 0 : index
      %get3A_5 = vector.load %arg4[%get3A_3, %get3A_4] : memref<256x768xf32, #tpu.memory_space<vmem>>, vector<256x768xf32>
      %convert_element_type3A_6 = arith.truncf %get3A_5 : vector<256x768xf32> to vector<256x768xbf16>
      %get3A_7 = arith.constant 0 : index
      %get3A_8 = arith.constant 0 : index
      %get3A_9 = arith.constant 0 : index
      %get3A_10 = vector.load %arg5[%get3A_7, %get3A_8, %get3A_9] : memref<1x3072x768xf32, #tpu.memory_space<vmem>>, vector<1x3072x768xf32>
      %get3A_11 = vector.shape_cast %get3A_10 : vector<1x3072x768xf32> to vector<3072x768xf32>
      %convert_element_type3A_12 = arith.truncf %get3A_11 : vector<3072x768xf32> to vector<3072x768xbf16>
      %get3A_13 = arith.constant 0 : index
      %get3A_14 = arith.constant 0 : index
      %get3A_15 = arith.constant 0 : index
      %get3A_16 = vector.load %arg6[%get3A_13, %get3A_14, %get3A_15] : memref<1x768x1536xf32, #tpu.memory_space<vmem>>, vector<1x768x1536xf32>
      %get3A_17 = vector.shape_cast %get3A_16 : vector<1x768x1536xf32> to vector<768x1536xf32>
      %convert_element_type3A_18 = arith.truncf %get3A_17 : vector<768x1536xf32> to vector<768x1536xbf16>
      %dot_general3A = arith.constant dense<0.000000e+00> : vector<256x3072xf32>
      %dot_general3A_19 = tpu.matmul %convert_element_type3A_6, %convert_element_type3A_12, %dot_general3A {dimension_numbers = #tpu.dot_dimension_numbers<[1], [1], [0], [0], [0, 0, 1, 0], [], []>, transpose_lhs_hint = false} : vector<256x768xbf16>, vector<3072x768xbf16>, vector<256x3072xf32> -> vector<256x3072xf32>
      %slice3A = vector.extract_strided_slice %dot_general3A_19 {offsets = [0, 0], sizes = [256, 1536], strides = [1, 1]} : vector<256x3072xf32> to vector<256x1536xf32>
      %slice3A_20 = vector.extract_strided_slice %dot_general3A_19 {offsets = [0, 1536], sizes = [256, 1536], strides = [1, 1]} : vector<256x3072xf32> to vector<256x1536xf32>
      %logistic3A = arith.negf %slice3A : vector<256x1536xf32>
      %logistic3A_21 = math.exp %logistic3A : vector<256x1536xf32>
      %logistic3A_22 = arith.constant 1.000000e+00 : f32
      %logistic3A_23 = vector.broadcast %logistic3A_22 : f32 to vector<256x1536xf32>
      %logistic3A_24 = arith.addf %logistic3A_23, %logistic3A_21 : vector<256x1536xf32>
      %logistic3A_25 = arith.divf %logistic3A_23, %logistic3A_24 : vector<256x1536xf32>
      %mul3A = arith.mulf %slice3A, %logistic3A_25 : vector<256x1536xf32>
      %mul3A_26 = arith.mulf %mul3A, %slice3A_20 : vector<256x1536xf32>
      %convert_element_type3A_27 = arith.truncf %mul3A_26 : vector<256x1536xf32> to vector<256x1536xbf16>
      %dot_general3A_28 = arith.constant dense<0.000000e+00> : vector<256x768xf32>
      %dot_general3A_29 = tpu.matmul %convert_element_type3A_27, %convert_element_type3A_18, %dot_general3A_28 {dimension_numbers = #tpu.dot_dimension_numbers<[1], [1], [0], [0], [0, 0, 1, 0], [], []>, transpose_lhs_hint = false} : vector<256x1536xbf16>, vector<768x1536xbf16>, vector<256x768xf32> -> vector<256x768xf32>
      %swap3A = arith.constant 0 : index
      %swap3A_30 = arith.constant 0 : index
      %swap3A_31 = vector.load %arg7[%swap3A, %swap3A_30] : memref<256x768xf32, #tpu.memory_space<vmem>>, vector<256x768xf32>
      tpu.vector_store %arg7[%swap3A, %swap3A_30], %dot_general3A_29 {strides = array<i32>} : memref<256x768xf32, #tpu.memory_space<vmem>>, vector<256x768xf32>,
    } else {
    }
    return
  }
  func.func @transform_0(%arg0: i32, %arg1: memref<24xi32, #tpu.memory_space<smem>>, %arg2: memref<24xi32, #tpu.memory_space<smem>>, %arg3: memref<24xi32, #tpu.memory_space<smem>>) -> (i32, i32) {
    %get3A = arith.index_cast %arg0 : i32 to index
    %get3A_0 = memref.load %arg2[%get3A] : memref<24xi32, #tpu.memory_space<smem>>
    %c0_i32 = arith.constant 0 : i32
    %c0_i32_1 = arith.constant 0 : i32
    return %get3A_0, %c0_i32 : i32, i32
  }
  func.func @transform_1(%arg0: i32, %arg1: memref<24xi32, #tpu.memory_space<smem>>, %arg2: memref<24xi32, #tpu.memory_space<smem>>, %arg3: memref<24xi32, #tpu.memory_space<smem>>) -> (i32, i32, i32) {
    %get3A = arith.index_cast %arg0 : i32 to index
    %get3A_0 = memref.load %arg1[%get3A] : memref<24xi32, #tpu.memory_space<smem>>
    %c0_i32 = arith.constant 0 : i32
    %c0_i32_1 = arith.constant 0 : i32
    %c0_i32_2 = arith.constant 0 : i32
    return %get3A_0, %c0_i32, %c0_i32_1 : i32, i32, i32
  }
  func.func @transform_2(%arg0: i32, %arg1: memref<24xi32, #tpu.memory_space<smem>>, %arg2: memref<24xi32, #tpu.memory_space<smem>>, %arg3: memref<24xi32, #tpu.memory_space<smem>>) -> (i32, i32, i32) {
    %get3A = arith.index_cast %arg0 : i32 to index
    %get3A_0 = memref.load %arg1[%get3A] : memref<24xi32, #tpu.memory_space<smem>>
    %c0_i32 = arith.constant 0 : i32
    %c0_i32_1 = arith.constant 0 : i32
    %c0_i32_2 = arith.constant 0 : i32
    return %get3A_0, %c0_i32, %c0_i32_1 : i32, i32, i32
  }
  func.func @transform_3(%arg0: i32, %arg1: memref<24xi32, #tpu.memory_space<smem>>, %arg2: memref<24xi32, #tpu.memory_space<smem>>, %arg3: memref<24xi32, #tpu.memory_space<smem>>) -> (i32, i32) {
    %c0_i32 = arith.constant 0 : i32
    %c0_i32_0 = arith.constant 0 : i32
    return %arg0, %c0_i32 : i32, i32
  }
}

</mosaic_0001>

<sc_bundles>
// kernel: kernel.10.cloned.1.call-start
scs
__scs_entry_jumppad:
0x0: {  	(pc) =	sbr.rel $0x88, $3  }
0x1: {  	(tag) =	ssettag $0x0;
	lr =	simm.s32 $0x1  }
0x2: {  	[smem:$0x3F9C] =	sst lr;
	_ =	strace $0xD0000000  }
0x3: {  	_ = 	snop  }
0x4: {  	_ = 	snop  }
0x5: {  	_ = 	snop  }
0x6: {  	_ = 	snop  }
0x7: {  	_ = 	snop  }
__scs_overlays_trampoline_lowered:
0x8: {  	[smem:$0x3FAB] =	sst s0  }
0x9: {  	[smem:$0x3FAC] =	sst s1  }
0xa: {  	[smem:$0x3FAD] =	sst s2  }
0xb: {  	[smem:$0x3FAE] =	sst s3  }
0xc: {  	[smem:$0x3FAF] =	sst s4  }
0xd: {  	[smem:$0x3FB0] =	sst s5  }
0xe: {  	[smem:$0x3FB1] =	sst s6  }
0xf: {  	[smem:$0x3FB2] =	sst s7  }
0x10: {  	[smem:$0x3FB3] =	sst s8  }
0x11: {  	[smem:$0x3FB4] =	sst s9;
	s0 =	simm.s32 @!p0 $0x0  }
0x12: {  	s1 =	sld [smem:$0x3F9A];
	s0 =	simm.s32 @p0 $0x1  }
0x13: {  	[smem:$0x3FB5] =	sst s0;
	s0 =	simm.s32 @!p1 $0x0  }
0x14: {  	s2 =	sld [smem:$0x3F99];
	s0 =	simm.s32 @p1 $0x1  }
0x15: {  	[smem:$0x3FB6] =	sst s0;
	s0 =	simm.s32 @!p2 $0x0  }
0x16: {  	s3 =	sld [smem:$0x3FDB];
	s0 =	simm.s32 @p2 $0x1  }
0x17: {  	s4 =	simm.s32 $0x1BF5;
	[smem:$0x3FB8] =	sst s0  }
0x18: {  	s0 =	sld [smem:$0x3F9B];
	_ =	swait.ge [sflag:s4], $0x0  }
0x19: {  	s7 =	sld [smem:$0x3F9C]  }
0x1a: {  	s8 =	sadd.s32 $0xFFFFE003, lr  }
0x1b: {  	s9 =	sadd.s32 $0xFFFFFEF7, lr;
	s5 =	simm.s32 $0xFFFFFFFF;
	p2 =	slt.u32 s8, $0xFFFFF086  }
0x1c: {  	p1 =	slt.u32 s9, $0xF7A;
	s5 =	simm.s32 @!p2 $0x0  }
0x1d: {  	s5 =	simm.s32 @p1 $0x1;
	p0 =	seq.s32 s7, s2  }
0x1e: {  	s7 =	smul.u32 @!p0 $0xF7A, s2;
	p2 =	seq.s32 @!p0 s5, $0x0  }
0x1f: {  	s9 =	smul.u32 $0xF7A, s1;
	s8 =	simm.s32 @!p0 $0x1BF5;
	p2 =	por !p2, p0  }
0x20: {  	[sflag:s8] =	ssyncset.s32 @!p0 $0xFFFFF086;
	s6 =	sadd.s32 @!p0 s3, s7;
	s7 =	simm.s32 @!p0 $0x108  }
0x21: {  	s3 =	sadd.s32 s3, s9;
	s6 =	sadd.s32 @!p0 $0x88, s6;
	s7 =	simm.s32 @p2 $0x1082  }
0x22: {  	[simem:s7], [sflag:s8] =	dma.local @!p0 [hbm:s6], $0xF7A  }
0x23: {  	s9 =	sor.u32 $0xD0000000, s2;
	s6 =	simm.s32 $0x108;
	_ =	swait.ge @!p0 [sflag:s8], $0x0  }
0x24: {  	s3 =	sadd.s32 $0x88, s3;
	s6 =	simm.s32 @!p1 $0x1082;
	[sflag:s4] =	ssyncset.s32 $0xFFFFF086  }
0x25: {  	[simem:s6], [sflag:s4] =	dma.local [hbm:s3], $0xF7A  }
0x26: {  	[smem:$0x3F9C] =	sst s1;
	(tag) =	ssettag s2;
	_ =	strace s9  }
0x27: {  	s1 =	sld [smem:$0x3FAC]  }
0x28: {  	s2 =	sld [smem:$0x3FAD]  }
0x29: {  	s4 =	sld [smem:$0x3FAF]  }
0x2a: {  	p0 =	seq.s32 s5, $0x0;
	s5 =	sld [smem:$0x3FB0]  }
0x2b: {  	s6 =	sld [smem:$0x3FB1]  }
0x2c: {  	s7 =	sld [smem:$0x3FB2]  }
0x2d: {  	s3 =	simm.s32 $0x108;
	s8 =	sld [smem:$0x3FB3]  }
0x2e: {  	s3 =	simm.s32 @!p0 $0x1082;
	s9 =	sld [smem:$0x3FB4]  }
0x2f: {  	lr =	sadd.s32 s0, s3;
	s0 =	sld [smem:$0x3FAB]  }
0x30: {  	s3 =	sld [smem:$0x3FAE]  }
0x31: {  	[smem:$0x3FB7] =	sst s10  }
0x32: {  	s10 =	sld [smem:$0x3FB5];
	_ =	sdelay $0x3  }
0x33: {  	p0 =	seq.s32 s10, $0x1;
	s10 =	sld [smem:$0x3FB7];
	_ =	sdelay $0x3  }
0x34: {  	[smem:$0x3FB7] =	sst s10  }
0x35: {  	s10 =	sld [smem:$0x3FB6];
	_ =	sdelay $0x3  }
0x36: {  	p1 =	seq.s32 s10, $0x1;
	s10 =	sld [smem:$0x3FB7];
	_ =	sdelay $0x3  }
0x37: {  	[smem:$0x3FB7] =	sst s10  }
0x38: {  	s10 =	sld [smem:$0x3FB8]  }
0x39: {  	_ = 	snop;
	(pc) =	sbr.ind lr, $3  }
0x3a: {  	_ = 	snop  }
0x3b: {  	_ = 	snop  }
0x3c: {  	p2 =	seq.s32 s10, $0x1;
	s10 =	sld [smem:$0x3FB7]  }
0x3d: {  	_ =	shalt  }
0x3e: {  	_ =	shalt  }
0x3f: {  	_ =	shalt  }
0x40: {  	_ =	shalt  }
0x41: {  	_ =	shalt  }
0x42: {  	_ =	shalt  }
0x43: {  	_ =	shalt  }
0x44: {  	_ =	shalt  }
0x45: {  	_ =	shalt  }
0x46: {  	_ =	shalt  }
0x47: {  	_ =	shalt  }
0x48: {  	_ =	shalt  }
0x49: {  	_ =	shalt  }
0x4a: {  	_ =	shalt  }
0x4b: {  	_ =	shalt  }
0x4c: {  	_ =	shalt  }
0x4d: {  	_ =	shalt  }
0x4e: {  	_ =	shalt  }
0x4f: {  	_ =	shalt  }
0x50: {  	_ =	shalt  }
0x51: {  	_ =	shalt  }
0x52: {  	_ =	shalt  }
0x53: {  	_ =	shalt  }
0x54: {  	_ =	shalt  }
0x55: {  	_ =	shalt  }
0x56: {  	_ =	shalt  }
0x57: {  	_ =	shalt  }
0x58: {  	_ =	shalt  }
0x59: {  	_ =	shalt  }
0x5a: {  	_ =	shalt  }
0x5b: {  	_ =	shalt  }
0x5c: {  	_ =	shalt  }
0x5d: {  	_ =	shalt  }
0x5e: {  	_ =	shalt  }
0x5f: {  	_ =	shalt  }
0x60: {  	_ =	shalt  }
0x61: {  	_ =	shalt  }
0x62: {  	_ =	shalt  }
0x63: {  	_ =	shalt  }
0x64: {  	_ =	shalt  }
0x65: {  	_ =	shalt  }
0x66: {  	_ =	shalt  }
0x67: {  	_ =	shalt  }
0x68: {  	_ =	shalt  }
0x69: {  	_ =	shalt  }
0x6a: {  	_ =	shalt  }
0x6b: {  	_ =	shalt  }
0x6c: {  	_ =	shalt  }
0x6d: {  	_ =	shalt  }
0x6e: {  	_ =	shalt  }
0x6f: {  	_ =	shalt  }
0x70: {  	_ =	shalt  }
0x71: {  	_ =	shalt  }
0x72: {  	_ =	shalt  }
0x73: {  	_ =	shalt  }
0x74: {  	_ =	shalt  }
0x75: {  	_ =	shalt  }
0x76: {  	_ =	shalt  }
0x77: {  	_ =	shalt  }
0x78: {  	_ =	shalt  }
0x79: {  	_ =	shalt  }
0x7a: {  	_ =	shalt  }
0x7b: {  	_ =	shalt  }
0x7c: {  	_ =	shalt  }
0x7d: {  	_ =	shalt  }
0x7e: {  	_ =	shalt  }
0x7f: {  	_ =	shalt  }
0x80: {  	_ =	shalt  }
0x81: {  	_ =	shalt  }
0x82: {  	_ =	shalt  }
0x83: {  	_ =	shalt  }
0x84: {  	_ =	shalt  }
0x85: {  	_ =	shalt  }
0x86: {  	_ =	shalt  }
0x87: {  	_ =	shalt  }
.Lfunc_end0:
.L_simem_size_0:
called_computation.1_lowered:
.L_overlay_start_0:
0x88: {  	s2 =	sld [smem:$0x3FD9]  }
0x89: {  	s3 =	sld [smem:$0x3FFE];
	_ =	sdelay $0x1  }
0x8a: {  	s1 =	srdreg.scid  }
0x8b: {  	s0 =	sand.u32 $0x1, s1  }
0x8c: {  	s14 =	sshll.u32 s0, $0xA;
	s2 =	sadd.s32 s3, s2  }
0x8d: {  	s2 =	sadd.s32 s2, s14  }
0x8e: {  	[smem:$0x3FC3] =	sst s2  }
0x8f: {  	_ = 	snop  }
0x90: {  	s2 =	sld [smem:$0x3FD0];
	_ =	sdelay $0x2  }
0x91: {  	s15 =	simm.s32 $0xA;
	s4 =	simm.s32 $0x10  }
0x92: {  	[smem:s4], [sflag:s15] =	dma.local [hbm:s2], $0x1  }
0x93: {  	_ =	swait.eq [sflag:s15], $0x1  }
0x94: {  	[sflag:s15] =	ssyncset.done $0x0  }
0x95: {  	[sflag:s15] =	ssyncadd.s32 $0xFFFFFFFF  }
0x96: {  	s16 =	sld [smem:$0x10];
	(tm) =	ssettm $0x1  }
0x97: {  	s17 =	sld [smem:$0x3FFB];
	_ =	sdelay $0x3  }
0x98: {  	_ =	strace s17  }
0x99: {  	s3 =	sld [smem:$0x3FFC];
	_ =	sdelay $0x3  }
0x9a: {  	_ =	strace s3  }
0x9b: {  	s3 =	sld [smem:$0x3FFD];
	_ =	sdelay $0x3  }
0x9c: {  	_ =	strace s3  }
0x9d: {  	_ =	strace $0x8FFFFFFF  }
0x9e: {  	s18 =	sld [smem:$0x3FDB];
	_ =	sdelay $0x1  }
0x9f: {  	s19 =	simm.s32 $_scs_section_size  }
0xa0: {  	s5 =	simm.s32 $_size__tile_overlayer_lowered;
	s6 =	simm.s32 $_tile_overlayer_lowered  }
0xa1: {  	s22 =	simm.s32 $0x1BFF;
	s21 =	sshll.u32 s6, $0x1;
	s3 =	sadd.s32 s19, s18  }
0xa2: {  	s7 =	simm.s32 $0x0;
	s20 =	sshll.u32 s5, $0x1;
	s5 =	sadd.s32 s21, s3  }
0xa3: {  	[timem:s7], [sflag:s22] =	dma.local [hbm:s5], s20  }
0xa4: {  	_ =	swait.ge [sflag:s22], s20  }
0xa5: {  	s4 =	ssub.s32 $0x0, s20;
	[sflag:s22] =	ssyncset.done $0x0  }
0xa6: {  	[sflag:s22] =	ssyncadd.s32 s4;
	_ =	sdelay $0x1  }
0xa7: {  	s23 =	simm.s32 $0x1B8B  }
0xa8: {  	_ =	swait.ge [sflag:s23], $0x1  }
0xa9: {  	[sflag:s23] =	ssyncset.done $0x0  }
0xaa: {  	s25 =	simm.s32 $0x1B8E;
	s24 =	sld [smem:$0x3FFE];
	[sflag:s23] =	ssyncadd.s32 $0xFFFFFFFF  }
0xab: {  	s26 =	simm.s32 $execute0_lowered;
	[smem:$0x3FD2] =	sst s25  }
0xac: {  	s5 =	sshll.u32 s26, $0x1;
	_ =	strace $0x80000049;
	[dreg:$0x1] =	wrdreg $0xFFFFFFFF  }
0xad: {  	s28 =	simm.s32 $_size_execute0_lowered;
	s3 =	sadd.s32 s3, s5;
	[dreg:$0x0] =	wrdreg $0x0  }
0xae: {  	s5 =	sshll.u32 s28, $0x1;
	[dreg:$0x2] =	wrdreg s3  }
0xaf: {  	[dreg:$0x3] =	wrdreg s5  }
0xb0: {  	[dreg:$0x4] =	wrdreg $0xC0  }
0xb1: {  	_ =	task [dreg:s7], $0x5FFFF  }
0xb2: {  	[dreg:$0x1] =	wrdreg $0xFFFFFFFF  }
0xb3: {  	[dreg:$0x0] =	wrdreg $0x60  }
0xb4: {  	[dreg:$0x2] =	wrdreg s24  }
0xb5: {  	[dreg:$0x3] =	wrdreg s16  }
0xb6: {  	[dreg:$0x4] =	wrdreg $0x9  }
0xb7: {  	_ =	task.clear_ibuf [dreg:s7], $0x5FFFF;
	_ =	strace $0x90000049  }
0xb8: {  	s29 =	simm.s32 $0x9;
	_ =	strace $0x8000004B  }
0xb9: {  	_ =	swait.ge [sflag:s29], $0x1  }
0xba: {  	[sflag:s29] =	ssyncadd.s32 $0xFFFFFFFF  }
0xbb: {  	_ =	strace $0x9000004B  }
0xbc: {  	_ =	sfence  }
0xbd: {  	s30 =	sld [smem:$0x0];
	_ =	sdelay $0x2  }
0xbe: {  	s31 =	sshll.u32 s1, $0xD;
	s1 =	sshrl.u32 s1, $0x2  }
0xbf: {  	s3 =	sand.u32 $0x4000, s31;
	s1 =	sadd.s32 s1, s30  }
0xc0: {  	s0 =	sor.u32 s3, s0;
	s1 =	sshll.u32 s1, $0x11  }
0xc1: {  	s0 =	sor.u32 s1, s0  }
0xc2: {  	s0 =	sadd.s32 $0x8F2B, s0  }
0xc3: {  	[sflag:s0] =	ssyncadd.remote.s32 $0x1  }
0xc4: {  	_ =	sfence.sel $0xFFFF  }
0xc5: {  	[dreg:$0x0] =	wrdreg $0xFFFFFFFF;
	(pc) =	sbr.abs _section_cstart, $3  }
0xc6: {  	[dreg:$0x1] =	wrdreg $0xFFFFFFFF  }
0xc7: {  	_ =	task.clear_ibuf [dreg:s7], $0x2FFFF;
	_ =	strace $0x9FFFFFFF  }
0xc8: {  	(tm) =	ssettm $0x7FFFFFFF  }
0xc9: {  	_ =	shalt  }
tec
execute0_lowered:
.L_overlay_start_1:
0x0: {  	(tag) =	ssettag $0x1  }
0x1: {  	s0 =	srdreg.scid;
	s1 =	rddreg [dreg:$0x0]  }
0x2: {  	s2 =	stileid.u32;
	s4 =	rddreg [dreg:$0x1];
	s9 =	simm.s32 $0xC000  }
0x3: {  	s10 =	simm.s32 $0x800;
	s11 =	simm.s32 $0x1000;
	s12 =	simm.s32 $0x1800  }
0x4: {  	s13 =	simm.s32 $0x2000;
	s14 =	simm.s32 $0x2800;
	s15 =	simm.s32 $0x3000  }
0x5: {  	s16 =	simm.s32 $0x3800;
	s17 =	simm.s32 $0x4000;
	s18 =	simm.s32 $0x4800  }
0x6: {  	s19 =	simm.s32 $0x5000;
	s20 =	simm.s32 $0x5800;
	s21 =	simm.s32 $0x6000  }
0x7: {  	s22 =	simm.s32 $0x6800;
	s23 =	simm.s32 $0x7000;
	s28 =	simm.s32 $0x9000  }
0x8: {  	s29 =	simm.s32 $0x9800;
	s30 =	simm.s32 $0xA000;
	s31 =	simm.s32 $0xA800  }
0x9: {  	s0 =	sand.u32 $0x1, s0;
	s3 =	sshll.u32 s2, $0x4;
	s2 =	simm.s32 $0x0  }
0xa: {  	s5 =	sshll.u32 s0, $0x3;
	[smem:$0x7FF] =	sst s2;
	s0 =	ssub.s32 $0x2, s0  }
0xb: {  	s3 =	sor.u32 s5, s3;
	_ =	strace $0x8000004A;
	s24 =	sshrl.u32 s0, $0x1  }
0xc: {  	s5 =	smul.u32 $0x300, s3;
	s6 =	sadd.s32 s3, s1;
	s3 =	sadd.s32 $0x2200, s1  }
0xd: {  	s0 =	ssub.s32 s0, s24;
	s24 =	simm.s32 $0x7800;
	s8 =	sadd.s32 $0x2000, s6  }
0xe: {  	s25 =	sadd.s32 $0x1E00, s6;
	s6 =	smax.u32 s0, $0x1;
	s0 =	simm.s32 $0x1  }
0xf: {  	s7 =	sadd.s32 s5, s1;
	[dreg:$0x3] =	wrdreg s8;
	s4 =	sadd.s32 s4, s5  }
0x10: {  	v2 =	vlaneseq.u32;
	[dreg:$0x5] =	wrdreg s25;
	s5 =	sadd.s32 $0x2400, s1;
	s8 =	simm.s32 $0x2  }
0x11: {  	vm0 =	vmmov $0xffff;
	v1 =	vshrl.u32 v2, $0x3;
	s25 =	simm.s32 $0x8000;
	[dreg:$0x4] =	wrdreg s4;
	s26 =	sadd.s32 $0x92200, s7  }
0x12: {  	v0 =	vand.u32 $0x7, v2;
	v2 =	vor.u32 $0x8, v2;
	v1 =	vmul.u32 $0x8, v1;
	s4 =	sadd.s32 $0x2300, s1;
	[dreg:$0x6] =	wrdreg s26;
	s26 =	simm.s32 $0x8800  }
.LBB2_1:
0x13: {  	s7 =	rddreg [dreg:$0x3]  }
0x14: {  	[tilespmem:s9], [sflag:$0x2] =	stream.linear.gather [hbm4b:s7+s2], $0x40, $0x38;
	[tilespmem:$0xC080] =	vst v63  }
0x15: {  	_ =	swait.ge [sflag:s8], $0x40  }
0x16: {  	[sflag:s8] =	ssyncset.done $0x0  }
0x17: {  	[sflag:s8] =	ssyncadd.s32 $0xFFFFFFC0  }
0x18: {  	v3 =	vld [tilespmem:$0xC000];
	_ =	sdelay $0x4  }
0x19: {  	v4 =	vshrl.u32 v3, $0x3  }
0x1a: {  	v4 =	vmul.u32 $0x30, v4  }
0x1b: {  	v3 =	vand.u32 $0x7, v3  }
0x1c: {  	v3 =	vor.u32 v3, v4  }
0x1d: {  	v4 =	vperm.xlane v3, v0;
	_ =	sdelay $0x1  }
0x1e: {  	v4 =	vadd.s32 v1, v4;
	_ =	sdelay $0x3  }
0x1f: {  	v3 =	vperm.xlane v3, v2  }
0x20: {  	[tilespmem:s2], [sflag:$0x1] =	stream.indirect_vreg.gather [hbm4b:s3+s2], $0x80, v4, vm0, $0xb8;
	[tilespmem:$0xC080] =	vst v63  }
0x21: {  	v3 =	vadd.s32 v1, v3  }
0x22: {  	[tilespmem:s10], [sflag:$0x1] =	stream.indirect_vreg.gather [hbm4b:s4+s2], $0x80, v4, vm0, $0xb8;
	[tilespmem:$0xC080] =	vst v63  }
0x23: {  	_ = 	snop  }
0x24: {  	[tilespmem:s11], [sflag:$0x1] =	stream.indirect_vreg.gather [hbm4b:s5+s2], $0x80, v4, vm0, $0xb8;
	[tilespmem:$0xC080] =	vst v63  }
0x25: {  	_ = 	snop  }
0x26: {  	[tilespmem:s12], [sflag:$0x1] =	stream.indirect_vreg.gather [hbm4b:s3+s2], $0x80, v3, vm0, $0xb8;
	[tilespmem:$0xC080] =	vst v63  }
0x27: {  	_ = 	snop  }
0x28: {  	[tilespmem:s13], [sflag:$0x1] =	stream.indirect_vreg.gather [hbm4b:s4+s2], $0x80, v3, vm0, $0xb8;
	[tilespmem:$0xC080] =	vst v63  }
0x29: {  	_ = 	snop  }
0x2a: {  	[tilespmem:s14], [sflag:$0x1] =	stream.indirect_vreg.gather [hbm4b:s5+s2], $0x80, v3, vm0, $0xb8;
	[tilespmem:$0xC080] =	vst v63  }
0x2b: {  	v3 =	vld [tilespmem:$0xC010];
	_ =	sdelay $0x4  }
0x2c: {  	v57 =	vshrl.u32 v3, $0x3  }
0x2d: {  	v4 =	vmul.u32 $0x30, v57  }
0x2e: {  	v3 =	vand.u32 $0x7, v3  }
0x2f: {  	v3 =	vor.u32 v3, v4  }
0x30: {  	v4 =	vperm.xlane v3, v0;
	_ =	sdelay $0x1  }
0x31: {  	v4 =	vadd.s32 v1, v4;
	_ =	sdelay $0x3  }
0x32: {  	v3 =	vperm.xlane v3, v2  }
0x33: {  	[tilespmem:s15], [sflag:$0x1] =	stream.indirect_vreg.gather [hbm4b:s3+s2], $0x80, v4, vm0, $0xb8;
	[tilespmem:$0xC080] =	vst v63  }
0x34: {  	v3 =	vadd.s32 v1, v3  }
0x35: {  	[tilespmem:s16], [sflag:$0x1] =	stream.indirect_vreg.gather [hbm4b:s4+s2], $0x80, v4, vm0, $0xb8;
	[tilespmem:$0xC080] =	vst v63  }
0x36: {  	_ = 	snop  }
0x37: {  	[tilespmem:s17], [sflag:$0x1] =	stream.indirect_vreg.gather [hbm4b:s5+s2], $0x80, v4, vm0, $0xb8;
	[tilespmem:$0xC080] =	vst v63  }
0x38: {  	_ = 	snop  }
0x39: {  	[tilespmem:s18], [sflag:$0x1] =	stream.indirect_vreg.gather [hbm4b:s3+s2], $0x80, v3, vm0, $0xb8;
	[tilespmem:$0xC080] =	vst v63  }
0x3a: {  	_ = 	snop  }
0x3b: {  	[tilespmem:s19], [sflag:$0x1] =	stream.indirect_vreg.gather [hbm4b:s4+s2], $0x80, v3, vm0, $0xb8;
	[tilespmem:$0xC080] =	vst v63  }
0x3c: {  	_ = 	snop  }
0x3d: {  	[tilespmem:s20], [sflag:$0x1] =	stream.indirect_vreg.gather [hbm4b:s5+s2], $0x80, v3, vm0, $0xb8;
	[tilespmem:$0xC080] =	vst v63  }
0x3e: {  	v3 =	vld [tilespmem:$0xC020];
	_ =	sdelay $0x4  }
0x3f: {  	v58 =	vshrl.u32 v3, $0x3  }
0x40: {  	v4 =	vmul.u32 $0x30, v58  }
0x41: {  	v3 =	vand.u32 $0x7, v3  }
0x42: {  	v3 =	vor.u32 v3, v4  }
0x43: {  	v4 =	vperm.xlane v3, v0;
	_ =	sdelay $0x1  }
0x44: {  	v4 =	vadd.s32 v1, v4;
	_ =	sdelay $0x3  }
0x45: {  	v3 =	vperm.xlane v3, v2  }
0x46: {  	[tilespmem:s21], [sflag:$0x1] =	stream.indirect_vreg.gather [hbm4b:s3+s2], $0x80, v4, vm0, $0xb8;
	[tilespmem:$0xC080] =	vst v63  }
0x47: {  	v3 =	vadd.s32 v1, v3  }
0x48: {  	[tilespmem:s22], [sflag:$0x1] =	stream.indirect_vreg.gather [hbm4b:s4+s2], $0x80, v4, vm0, $0xb8;
	[tilespmem:$0xC080] =	vst v63  }
0x49: {  	_ = 	snop  }
0x4a: {  	[tilespmem:s23], [sflag:$0x1] =	stream.indirect_vreg.gather [hbm4b:s5+s2], $0x80, v4, vm0, $0xb8;
	[tilespmem:$0xC080] =	vst v63  }
0x4b: {  	_ = 	snop  }
0x4c: {  	[tilespmem:s24], [sflag:$0x1] =	stream.indirect_vreg.gather [hbm4b:s3+s2], $0x80, v3, vm0, $0xb8;
	[tilespmem:$0xC080] =	vst v63  }
0x4d: {  	_ = 	snop  }
0x4e: {  	[tilespmem:s25], [sflag:$0x1] =	stream.indirect_vreg.gather [hbm4b:s4+s2], $0x80, v3, vm0, $0xb8;
	[tilespmem:$0xC080] =	vst v63  }
0x4f: {  	_ = 	snop  }
0x50: {  	[tilespmem:s26], [sflag:$0x1] =	stream.indirect_vreg.gather [hbm4b:s5+s2], $0x80, v3, vm0, $0xb8;
	[tilespmem:$0xC080] =	vst v63  }
0x51: {  	v3 =	vld [tilespmem:$0xC030];
	_ =	sdelay $0x4  }
0x52: {  	v59 =	vshrl.u32 v3, $0x3  }
0x53: {  	v4 =	vmul.u32 $0x30, v59  }
0x54: {  	v3 =	vand.u32 $0x7, v3  }
0x55: {  	v3 =	vor.u32 v3, v4  }
0x56: {  	v4 =	vperm.xlane v3, v0;
	_ =	sdelay $0x1  }
0x57: {  	v4 =	vadd.s32 v1, v4;
	_ =	sdelay $0x3  }
0x58: {  	v3 =	vperm.xlane v3, v2  }
0x59: {  	[tilespmem:s28], [sflag:$0x1] =	stream.indirect_vreg.gather [hbm4b:s3+s2], $0x80, v4, vm0, $0xb8;
	[tilespmem:$0xC080] =	vst v63  }
0x5a: {  	v3 =	vadd.s32 v1, v3  }
0x5b: {  	[tilespmem:s29], [sflag:$0x1] =	stream.indirect_vreg.gather [hbm4b:s4+s2], $0x80, v4, vm0, $0xb8;
	[tilespmem:$0xC080] =	vst v63  }
0x5c: {  	_ = 	snop  }
0x5d: {  	[tilespmem:s30], [sflag:$0x1] =	stream.indirect_vreg.gather [hbm4b:s5+s2], $0x80, v4, vm0, $0xb8;
	[tilespmem:$0xC080] =	vst v63  }
0x5e: {  	_ = 	snop  }
0x5f: {  	[tilespmem:s31], [sflag:$0x1] =	stream.indirect_vreg.gather [hbm4b:s3+s2], $0x80, v3, vm0, $0xb8;
	[tilespmem:$0xC080] =	vst v63  }
0x60: {  	s1 =	simm.s32 $0xB000  }
0x61: {  	[tilespmem:s1], [sflag:$0x1] =	stream.indirect_vreg.gather [hbm4b:s4+s2], $0x80, v3, vm0, $0xb8;
	[tilespmem:$0xC080] =	vst v63  }
0x62: {  	s7 =	simm.s32 $0xB800  }
0x63: {  	[tilespmem:s7], [sflag:$0x1] =	stream.indirect_vreg.gather [hbm4b:s5+s2], $0x80, v3, vm0, $0xb8;
	[tilespmem:$0xC080] =	vst v63  }
0x64: {  	_ =	swait.ge [sflag:s0], $0xC000  }
0x65: {  	[sflag:s0] =	ssyncset.done $0x0  }
0x66: {  	s7 =	rddreg [dreg:$0x4];
	[sflag:s0] =	ssyncadd.s32 $0xFFFF4000  }
0x67: {  	[hbm4b:s7+s2] =	stream.linear.scatter [tilespmem:s2], [sflag:$0x2], $0xC000, $0x38;
	[tilespmem:$0xC080] =	vst v63  }
0x68: {  	_ =	swait.ge [sflag:s8], $0xC000  }
0x69: {  	[sflag:s8] =	ssyncset.done $0x0  }
0x6a: {  	s7 =	rddreg [dreg:$0x5];
	[sflag:s8] =	ssyncadd.s32 $0xFFFF4000  }
0x6b: {  	[tilespmem:s9], [sflag:$0x2] =	stream.linear.gather [hbm4b:s7+s2], $0x40, $0x38;
	[tilespmem:$0xC080] =	vst v63  }
0x6c: {  	_ =	swait.ge [sflag:s8], $0x40  }
0x6d: {  	[sflag:s8] =	ssyncset.done $0x0  }
0x6e: {  	[sflag:s8] =	ssyncadd.s32 $0xFFFFFFC0  }
0x6f: {  	v3 =	vld [tilespmem:$0xC000];
	_ =	sdelay $0x4  }
0x70: {  	v60 =	vshrl.u32 v3, $0x3  }
0x71: {  	v4 =	vmul.u32 $0x30, v60  }
0x72: {  	v3 =	vand.u32 $0x7, v3  }
0x73: {  	v3 =	vor.u32 v3, v4  }
0x74: {  	v4 =	vperm.xlane v3, v0;
	_ =	sdelay $0x1  }
0x75: {  	v4 =	vadd.s32 v1, v4;
	_ =	sdelay $0x3  }
0x76: {  	v3 =	vperm.xlane v3, v2  }
0x77: {  	[tilespmem:s2], [sflag:$0x1] =	stream.indirect_vreg.gather [hbm4b:s3+s2], $0x80, v4, vm0, $0xb8;
	[tilespmem:$0xC080] =	vst v63  }
0x78: {  	v3 =	vadd.s32 v1, v3  }
0x79: {  	[tilespmem:s10], [sflag:$0x1] =	stream.indirect_vreg.gather [hbm4b:s4+s2], $0x80, v4, vm0, $0xb8;
	[tilespmem:$0xC080] =	vst v63  }
0x7a: {  	_ = 	snop  }
0x7b: {  	[tilespmem:s11], [sflag:$0x1] =	stream.indirect_vreg.gather [hbm4b:s5+s2], $0x80, v4, vm0, $0xb8;
	[tilespmem:$0xC080] =	vst v63  }
0x7c: {  	_ = 	snop  }
0x7d: {  	[tilespmem:s12], [sflag:$0x1] =	stream.indirect_vreg.gather [hbm4b:s3+s2], $0x80, v3, vm0, $0xb8;
	[tilespmem:$0xC080] =	vst v63  }
0x7e: {  	_ = 	snop  }
0x7f: {  	[tilespmem:s13], [sflag:$0x1] =	stream.indirect_vreg.gather [hbm4b:s4+s2], $0x80, v3, vm0, $0xb8;
	[tilespmem:$0xC080] =	vst v63  }
0x80: {  	_ = 	snop  }
0x81: {  	[tilespmem:s14], [sflag:$0x1] =	stream.indirect_vreg.gather [hbm4b:s5+s2], $0x80, v3, vm0, $0xb8;
	[tilespmem:$0xC080] =	vst v63  }
0x82: {  	v3 =	vld [tilespmem:$0xC010];
	_ =	sdelay $0x4  }
0x83: {  	v61 =	vshrl.u32 v3, $0x3  }
0x84: {  	v4 =	vmul.u32 $0x30, v61  }
0x85: {  	v3 =	vand.u32 $0x7, v3  }
0x86: {  	v3 =	vor.u32 v3, v4  }
0x87: {  	v4 =	vperm.xlane v3, v0;
	_ =	sdelay $0x1  }
0x88: {  	v4 =	vadd.s32 v1, v4;
	_ =	sdelay $0x3  }
0x89: {  	v3 =	vperm.xlane v3, v2  }
0x8a: {  	[tilespmem:s15], [sflag:$0x1] =	stream.indirect_vreg.gather [hbm4b:s3+s2], $0x80, v4, vm0, $0xb8;
	[tilespmem:$0xC080] =	vst v63  }
0x8b: {  	v3 =	vadd.s32 v1, v3  }
0x8c: {  	[tilespmem:s16], [sflag:$0x1] =	stream.indirect_vreg.gather [hbm4b:s4+s2], $0x80, v4, vm0, $0xb8;
	[tilespmem:$0xC080] =	vst v63  }
0x8d: {  	_ = 	snop  }
0x8e: {  	[tilespmem:s17], [sflag:$0x1] =	stream.indirect_vreg.gather [hbm4b:s5+s2], $0x80, v4, vm0, $0xb8;
	[tilespmem:$0xC080] =	vst v63  }
0x8f: {  	_ = 	snop  }
0x90: {  	[tilespmem:s18], [sflag:$0x1] =	stream.indirect_vreg.gather [hbm4b:s3+s2], $0x80, v3, vm0, $0xb8;
	[tilespmem:$0xC080] =	vst v63  }
0x91: {  	_ = 	snop  }
0x92: {  	[tilespmem:s19], [sflag:$0x1] =	stream.indirect_vreg.gather [hbm4b:s4+s2], $0x80, v3, vm0, $0xb8;
	[tilespmem:$0xC080] =	vst v63  }
0x93: {  	_ = 	snop  }
0x94: {  	[tilespmem:s20], [sflag:$0x1] =	stream.indirect_vreg.gather [hbm4b:s5+s2], $0x80, v3, vm0, $0xb8;
	[tilespmem:$0xC080] =	vst v63  }
0x95: {  	v3 =	vld [tilespmem:$0xC020];
	_ =	sdelay $0x4  }
0x96: {  	v62 =	vshrl.u32 v3, $0x3  }
0x97: {  	v4 =	vmul.u32 $0x30, v62  }
0x98: {  	v3 =	vand.u32 $0x7, v3  }
0x99: {  	v3 =	vor.u32 v3, v4  }
0x9a: {  	v4 =	vperm.xlane v3, v0;
	_ =	sdelay $0x1  }
0x9b: {  	v4 =	vadd.s32 v1, v4;
	_ =	sdelay $0x3  }
0x9c: {  	v3 =	vperm.xlane v3, v2  }
0x9d: {  	[tilespmem:s21], [sflag:$0x1] =	stream.indirect_vreg.gather [hbm4b:s3+s2], $0x80, v4, vm0, $0xb8;
	[tilespmem:$0xC080] =	vst v63  }
0x9e: {  	v3 =	vadd.s32 v1, v3  }
0x9f: {  	[tilespmem:s22], [sflag:$0x1] =	stream.indirect_vreg.gather [hbm4b:s4+s2], $0x80, v4, vm0, $0xb8;
	[tilespmem:$0xC080] =	vst v63  }
0xa0: {  	_ = 	snop  }
0xa1: {  	[tilespmem:s23], [sflag:$0x1] =	stream.indirect_vreg.gather [hbm4b:s5+s2], $0x80, v4, vm0, $0xb8;
	[tilespmem:$0xC080] =	vst v63  }
0xa2: {  	_ = 	snop  }
0xa3: {  	[tilespmem:s24], [sflag:$0x1] =	stream.indirect_vreg.gather [hbm4b:s3+s2], $0x80, v3, vm0, $0xb8;
	[tilespmem:$0xC080] =	vst v63  }
0xa4: {  	_ = 	snop  }
0xa5: {  	[tilespmem:s25], [sflag:$0x1] =	stream.indirect_vreg.gather [hbm4b:s4+s2], $0x80, v3, vm0, $0xb8;
	[tilespmem:$0xC080] =	vst v63  }
0xa6: {  	_ = 	snop  }
0xa7: {  	[tilespmem:s26], [sflag:$0x1] =	stream.indirect_vreg.gather [hbm4b:s5+s2], $0x80, v3, vm0, $0xb8;
	[tilespmem:$0xC080] =	vst v63  }
0xa8: {  	v3 =	vld [tilespmem:$0xC030];
	_ =	sdelay $0x4  }
0xa9: {  	v63 =	vshrl.u32 v3, $0x3  }
0xaa: {  	v4 =	vmul.u32 $0x30, v63  }
0xab: {  	v3 =	vand.u32 $0x7, v3  }
0xac: {  	v3 =	vor.u32 v3, v4  }
0xad: {  	v4 =	vperm.xlane v3, v0;
	_ =	sdelay $0x1  }
0xae: {  	v4 =	vadd.s32 v1, v4;
	_ =	sdelay $0x3  }
0xaf: {  	v3 =	vperm.xlane v3, v2  }
0xb0: {  	[tilespmem:s28], [sflag:$0x1] =	stream.indirect_vreg.gather [hbm4b:s3+s2], $0x80, v4, vm0, $0xb8;
	[tilespmem:$0xC080] =	vst v63  }
0xb1: {  	v3 =	vadd.s32 v1, v3  }
0xb2: {  	[tilespmem:s29], [sflag:$0x1] =	stream.indirect_vreg.gather [hbm4b:s4+s2], $0x80, v4, vm0, $0xb8;
	[tilespmem:$0xC080] =	vst v63  }
0xb3: {  	_ = 	snop  }
0xb4: {  	[tilespmem:s30], [sflag:$0x1] =	stream.indirect_vreg.gather [hbm4b:s5+s2], $0x80, v4, vm0, $0xb8;
	[tilespmem:$0xC080] =	vst v63  }
0xb5: {  	_ = 	snop  }
0xb6: {  	[tilespmem:s31], [sflag:$0x1] =	stream.indirect_vreg.gather [hbm4b:s3+s2], $0x80, v3, vm0, $0xb8;
	[tilespmem:$0xC080] =	vst v63  }
0xb7: {  	_ = 	snop  }
0xb8: {  	[tilespmem:s1], [sflag:$0x1] =	stream.indirect_vreg.gather [hbm4b:s4+s2], $0x80, v3, vm0, $0xb8;
	[tilespmem:$0xC080] =	vst v63  }
0xb9: {  	s7 =	simm.s32 $0xB800  }
0xba: {  	[tilespmem:s7], [sflag:$0x1] =	stream.indirect_vreg.gather [hbm4b:s5+s2], $0x80, v3, vm0, $0xb8;
	[tilespmem:$0xC080] =	vst v63  }
0xbb: {  	_ =	swait.ge [sflag:s0], $0xC000  }
0xbc: {  	p0 =	sne.s32 s6, $0x1;
	[sflag:s0] =	ssyncset.done $0x0  }
.Ltmp0:
0xbd: {  	s1 =	rddreg [dreg:$0x6];
	[sflag:s0] =	ssyncadd.s32 $0xFFFF4000;
	(pc) =	sbr.rel @p0 .LBB2_1-.Ltmp0, $4  }
0xbe: {  	[hbm4b:s1+s2] =	stream.linear.scatter [tilespmem:s2], [sflag:$0x2], $0xC000, $0x38;
	[tilespmem:$0xC080] =	vst v63  }
0xbf: {  	_ =	swait.ge [sflag:s8], $0xC000  }
0xc0: {  	[sflag:s8] =	ssyncset.done $0x0  }
0xc1: {  	s6 =	sadd.s32 $0xFFFFFFFF, s6;
	[sflag:s8] =	ssyncadd.s32 $0xFFFF4000  }
0xc2: {  	_ =	sfence.sel $0x180000  }
0xc3: {  	[bflag:$0x0] =	sbarrier.arrive $0xFFFF  }
0xc4: {  	_ =	strace $0x9000004A  }
0xc5: {  	s0 =	stileid.u32;
	[bflag:$0x2] =	sbarrier.arrive $0xFFFF  }
0xc6: {  	p0 =	sne.s32 s0, $0x0;
	s0 =	rddreg [dreg:$0x2]  }
0xc7: {  	s0 =	sadd.s32 @!p0 $0x100000, s0  }
0xc8: {  	[sflag:s0] =	ssyncadd.tile.s32 @!p0 $0x1;
	_ =	shalt  }
.Lfunc_end2:
_tile_overlayer_lowered:
.L_overlay_start_2:
0xc9: {  	(tag) =	ssettag $0x2  }
0xca: {  	s0 =	rddreg [dreg:$0x0];
	s2 =	stileid.u32  }
0xcb: {  	s1 =	rddreg [dreg:$0x1];
	p0 =	sne.s32 s2, $0x0  }
0xcc: {  	s3 =	rddreg [dreg:$0x2];
	[bflag:$0x3] =	sbarrier.arrive $0xFFFF;
	s2 =	simm.s32 @!p0 $0x1C02  }
0xcd: {  	[timem:s3], [sflag:s2] =	dma.local @!p0 [hbm:s0], s1  }
0xce: {  	s0 =	simm.s32 @!p0 $0x2  }
0xcf: {  	_ =	swait.ge @!p0 [sflag:s0], s1  }
0xd0: {  	s1 =	ssub.s32 @!p0 $0x0, s1;
	[sflag:s0] =	ssyncset.done @!p0 $0x0  }
0xd1: {  	[sflag:s0] =	ssyncadd.s32 @!p0 s1  }
0xd2: {  	[bflag:$0x3] =	sbarrier.arrive $0xFFFF  }
0xd3: {  	_ =	shalt  }

// kernel: kernel.7.cloned.1.call-start
scs
__scs_entry_jumppad:
0x0: {  	(pc) =	sbr.rel $0x88, $3  }
0x1: {  	(tag) =	ssettag $0x0;
	lr =	simm.s32 $0x1  }
0x2: {  	[smem:$0x3F9C] =	sst lr;
	_ =	strace $0xD0000000  }
0x3: {  	_ = 	snop  }
0x4: {  	_ = 	snop  }
0x5: {  	_ = 	snop  }
0x6: {  	_ = 	snop  }
0x7: {  	_ = 	snop  }
__scs_overlays_trampoline_lowered:
0x8: {  	[smem:$0x3FAB] =	sst s0  }
0x9: {  	[smem:$0x3FAC] =	sst s1  }
0xa: {  	[smem:$0x3FAD] =	sst s2  }
0xb: {  	[smem:$0x3FAE] =	sst s3  }
0xc: {  	[smem:$0x3FAF] =	sst s4  }
0xd: {  	[smem:$0x3FB0] =	sst s5  }
0xe: {  	[smem:$0x3FB1] =	sst s6  }
0xf: {  	[smem:$0x3FB2] =	sst s7  }
0x10: {  	[smem:$0x3FB3] =	sst s8  }
0x11: {  	[smem:$0x3FB4] =	sst s9;
	s0 =	simm.s32 @!p0 $0x0  }
0x12: {  	s1 =	sld [smem:$0x3F9A];
	s0 =	simm.s32 @p0 $0x1  }
0x13: {  	[smem:$0x3FB5] =	sst s0;
	s0 =	simm.s32 @!p1 $0x0  }
0x14: {  	s2 =	sld [smem:$0x3F99];
	s0 =	simm.s32 @p1 $0x1  }
0x15: {  	[smem:$0x3FB6] =	sst s0;
	s0 =	simm.s32 @!p2 $0x0  }
0x16: {  	s3 =	sld [smem:$0x3FDB];
	s0 =	simm.s32 @p2 $0x1  }
0x17: {  	s4 =	simm.s32 $0x1BF5;
	[smem:$0x3FB8] =	sst s0  }
0x18: {  	s0 =	sld [smem:$0x3F9B];
	_ =	swait.ge [sflag:s4], $0x0  }
0x19: {  	s7 =	sld [smem:$0x3F9C]  }
0x1a: {  	s8 =	sadd.s32 $0xFFFFE003, lr  }
0x1b: {  	s9 =	sadd.s32 $0xFFFFFEF7, lr;
	s5 =	simm.s32 $0xFFFFFFFF;
	p2 =	slt.u32 s8, $0xFFFFF086  }
0x1c: {  	p1 =	slt.u32 s9, $0xF7A;
	s5 =	simm.s32 @!p2 $0x0  }
0x1d: {  	s5 =	simm.s32 @p1 $0x1;
	p0 =	seq.s32 s7, s2  }
0x1e: {  	s7 =	smul.u32 @!p0 $0xF7A, s2;
	p2 =	seq.s32 @!p0 s5, $0x0  }
0x1f: {  	s9 =	smul.u32 $0xF7A, s1;
	s8 =	simm.s32 @!p0 $0x1BF5;
	p2 =	por !p2, p0  }
0x20: {  	[sflag:s8] =	ssyncset.s32 @!p0 $0xFFFFF086;
	s6 =	sadd.s32 @!p0 s3, s7;
	s7 =	simm.s32 @!p0 $0x108  }
0x21: {  	s3 =	sadd.s32 s3, s9;
	s6 =	sadd.s32 @!p0 $0x88, s6;
	s7 =	simm.s32 @p2 $0x1082  }
0x22: {  	[simem:s7], [sflag:s8] =	dma.local @!p0 [hbm:s6], $0xF7A  }
0x23: {  	s9 =	sor.u32 $0xD0000000, s2;
	s6 =	simm.s32 $0x108;
	_ =	swait.ge @!p0 [sflag:s8], $0x0  }
0x24: {  	s3 =	sadd.s32 $0x88, s3;
	s6 =	simm.s32 @!p1 $0x1082;
	[sflag:s4] =	ssyncset.s32 $0xFFFFF086  }
0x25: {  	[simem:s6], [sflag:s4] =	dma.local [hbm:s3], $0xF7A  }
0x26: {  	[smem:$0x3F9C] =	sst s1;
	(tag) =	ssettag s2;
	_ =	strace s9  }
0x27: {  	s1 =	sld [smem:$0x3FAC]  }
0x28: {  	s2 =	sld [smem:$0x3FAD]  }
0x29: {  	s4 =	sld [smem:$0x3FAF]  }
0x2a: {  	p0 =	seq.s32 s5, $0x0;
	s5 =	sld [smem:$0x3FB0]  }
0x2b: {  	s6 =	sld [smem:$0x3FB1]  }
0x2c: {  	s7 =	sld [smem:$0x3FB2]  }
0x2d: {  	s3 =	simm.s32 $0x108;
	s8 =	sld [smem:$0x3FB3]  }
0x2e: {  	s3 =	simm.s32 @!p0 $0x1082;
	s9 =	sld [smem:$0x3FB4]  }
0x2f: {  	lr =	sadd.s32 s0, s3;
	s0 =	sld [smem:$0x3FAB]  }
0x30: {  	s3 =	sld [smem:$0x3FAE]  }
0x31: {  	[smem:$0x3FB7] =	sst s10  }
0x32: {  	s10 =	sld [smem:$0x3FB5];
	_ =	sdelay $0x3  }
0x33: {  	p0 =	seq.s32 s10, $0x1;
	s10 =	sld [smem:$0x3FB7];
	_ =	sdelay $0x3  }
0x34: {  	[smem:$0x3FB7] =	sst s10  }
0x35: {  	s10 =	sld [smem:$0x3FB6];
	_ =	sdelay $0x3  }
0x36: {  	p1 =	seq.s32 s10, $0x1;
	s10 =	sld [smem:$0x3FB7];
	_ =	sdelay $0x3  }
0x37: {  	[smem:$0x3FB7] =	sst s10  }
0x38: {  	s10 =	sld [smem:$0x3FB8]  }
0x39: {  	_ = 	snop;
	(pc) =	sbr.ind lr, $3  }
0x3a: {  	_ = 	snop  }
0x3b: {  	_ = 	snop  }
0x3c: {  	p2 =	seq.s32 s10, $0x1;
	s10 =	sld [smem:$0x3FB7]  }
0x3d: {  	_ =	shalt  }
0x3e: {  	_ =	shalt  }
0x3f: {  	_ =	shalt  }
0x40: {  	_ =	shalt  }
0x41: {  	_ =	shalt  }
0x42: {  	_ =	shalt  }
0x43: {  	_ =	shalt  }
0x44: {  	_ =	shalt  }
0x45: {  	_ =	shalt  }
0x46: {  	_ =	shalt  }
0x47: {  	_ =	shalt  }
0x48: {  	_ =	shalt  }
0x49: {  	_ =	shalt  }
0x4a: {  	_ =	shalt  }
0x4b: {  	_ =	shalt  }
0x4c: {  	_ =	shalt  }
0x4d: {  	_ =	shalt  }
0x4e: {  	_ =	shalt  }
0x4f: {  	_ =	shalt  }
0x50: {  	_ =	shalt  }
0x51: {  	_ =	shalt  }
0x52: {  	_ =	shalt  }
0x53: {  	_ =	shalt  }
0x54: {  	_ =	shalt  }
0x55: {  	_ =	shalt  }
0x56: {  	_ =	shalt  }
0x57: {  	_ =	shalt  }
0x58: {  	_ =	shalt  }
0x59: {  	_ =	shalt  }
0x5a: {  	_ =	shalt  }
0x5b: {  	_ =	shalt  }
0x5c: {  	_ =	shalt  }
0x5d: {  	_ =	shalt  }
0x5e: {  	_ =	shalt  }
0x5f: {  	_ =	shalt  }
0x60: {  	_ =	shalt  }
0x61: {  	_ =	shalt  }
0x62: {  	_ =	shalt  }
0x63: {  	_ =	shalt  }
0x64: {  	_ =	shalt  }
0x65: {  	_ =	shalt  }
0x66: {  	_ =	shalt  }
0x67: {  	_ =	shalt  }
0x68: {  	_ =	shalt  }
0x69: {  	_ =	shalt  }
0x6a: {  	_ =	shalt  }
0x6b: {  	_ =	shalt  }
0x6c: {  	_ =	shalt  }
0x6d: {  	_ =	shalt  }
0x6e: {  	_ =	shalt  }
0x6f: {  	_ =	shalt  }
0x70: {  	_ =	shalt  }
0x71: {  	_ =	shalt  }
0x72: {  	_ =	shalt  }
0x73: {  	_ =	shalt  }
0x74: {  	_ =	shalt  }
0x75: {  	_ =	shalt  }
0x76: {  	_ =	shalt  }
0x77: {  	_ =	shalt  }
0x78: {  	_ =	shalt  }
0x79: {  	_ =	shalt  }
0x7a: {  	_ =	shalt  }
0x7b: {  	_ =	shalt  }
0x7c: {  	_ =	shalt  }
0x7d: {  	_ =	shalt  }
0x7e: {  	_ =	shalt  }
0x7f: {  	_ =	shalt  }
0x80: {  	_ =	shalt  }
0x81: {  	_ =	shalt  }
0x82: {  	_ =	shalt  }
0x83: {  	_ =	shalt  }
0x84: {  	_ =	shalt  }
0x85: {  	_ =	shalt  }
0x86: {  	_ =	shalt  }
0x87: {  	_ =	shalt  }
.Lfunc_end0:
.L_simem_size_0:
called_computation_lowered:
.L_overlay_start_0:
0x88: {  	s2 =	sld [smem:$0x3FD9]  }
0x89: {  	s3 =	sld [smem:$0x3FFE];
	_ =	sdelay $0x1  }
0x8a: {  	s1 =	srdreg.scid  }
0x8b: {  	s0 =	sand.u32 $0x1, s1  }
0x8c: {  	s17 =	sshll.u32 s0, $0xA;
	s2 =	sadd.s32 s3, s2  }
0x8d: {  	s2 =	sadd.s32 s2, s17  }
0x8e: {  	[smem:$0x3FC3] =	sst s2  }
0x8f: {  	_ = 	snop  }
0x90: {  	s2 =	sld [smem:$0x3FC9];
	(tm) =	ssettm $0x1  }
0x91: {  	s18 =	sld [smem:$0x3FFB];
	_ =	sdelay $0x3  }
0x92: {  	_ =	strace s18  }
0x93: {  	s3 =	sld [smem:$0x3FFC];
	_ =	sdelay $0x3  }
0x94: {  	_ =	strace s3  }
0x95: {  	s3 =	sld [smem:$0x3FFD];
	_ =	sdelay $0x3  }
0x96: {  	_ =	strace s3  }
0x97: {  	_ =	strace $0x8FFFFFFF  }
0x98: {  	s19 =	sld [smem:$0x3FDB];
	_ =	sdelay $0x1  }
0x99: {  	s4 =	simm.s32 $_scs_section_size  }
0x9a: {  	s5 =	simm.s32 $_size__tile_overlayer_lowered;
	s6 =	simm.s32 $_tile_overlayer_lowered  }
0x9b: {  	s22 =	simm.s32 $0x1BFF;
	s21 =	sshll.u32 s6, $0x1;
	s3 =	sadd.s32 s4, s19  }
0x9c: {  	s7 =	simm.s32 $0x0;
	s20 =	sshll.u32 s5, $0x1;
	s5 =	sadd.s32 s21, s3  }
0x9d: {  	[timem:s7], [sflag:s22] =	dma.local [hbm:s5], s20  }
0x9e: {  	_ =	swait.ge [sflag:s22], s20  }
0x9f: {  	s4 =	ssub.s32 $0x0, s20;
	[sflag:s22] =	ssyncset.done $0x0  }
0xa0: {  	[sflag:s22] =	ssyncadd.s32 s4;
	_ =	sdelay $0x1  }
0xa1: {  	s23 =	simm.s32 $0x1B8B  }
0xa2: {  	_ =	swait.ge [sflag:s23], $0x1  }
0xa3: {  	[sflag:s23] =	ssyncset.done $0x0  }
0xa4: {  	s25 =	simm.s32 $0x1B8E;
	s24 =	sld [smem:$0x3FFE];
	[sflag:s23] =	ssyncadd.s32 $0xFFFFFFFF  }
0xa5: {  	s26 =	simm.s32 $execute0_lowered;
	[smem:$0x3FD2] =	sst s25  }
0xa6: {  	s5 =	sshll.u32 s26, $0x1;
	_ =	strace $0x80000046;
	[dreg:$0x1] =	wrdreg $0xFFFFFFFF  }
0xa7: {  	s28 =	simm.s32 $_size_execute0_lowered;
	s3 =	sadd.s32 s3, s5;
	[dreg:$0x0] =	wrdreg $0x0  }
0xa8: {  	s5 =	sshll.u32 s28, $0x1;
	[dreg:$0x2] =	wrdreg s3  }
0xa9: {  	[dreg:$0x3] =	wrdreg s5  }
0xaa: {  	[dreg:$0x4] =	wrdreg $0xC0  }
0xab: {  	_ =	task [dreg:s7], $0x5FFFF  }
0xac: {  	[dreg:$0x1] =	wrdreg $0xFFFFFFFF  }
0xad: {  	[dreg:$0x0] =	wrdreg $0x60  }
0xae: {  	[dreg:$0x2] =	wrdreg s2  }
0xaf: {  	[dreg:$0x3] =	wrdreg s24  }
0xb0: {  	[dreg:$0x4] =	wrdreg $0x9  }
0xb1: {  	_ =	task.clear_ibuf [dreg:s7], $0x5FFFF;
	_ =	strace $0x90000046  }
0xb2: {  	s29 =	simm.s32 $0x9;
	_ =	strace $0x80000048  }
0xb3: {  	_ =	swait.ge [sflag:s29], $0x1  }
0xb4: {  	[sflag:s29] =	ssyncadd.s32 $0xFFFFFFFF  }
0xb5: {  	_ =	strace $0x90000048  }
0xb6: {  	_ =	sfence  }
0xb7: {  	s30 =	sld [smem:$0x0];
	_ =	sdelay $0x2  }
0xb8: {  	s31 =	sshll.u32 s1, $0xD;
	s1 =	sshrl.u32 s1, $0x2  }
0xb9: {  	s3 =	sand.u32 $0x4000, s31;
	s1 =	sadd.s32 s1, s30  }
0xba: {  	s0 =	sor.u32 s3, s0;
	s1 =	sshll.u32 s1, $0x11  }
0xbb: {  	s0 =	sor.u32 s1, s0  }
0xbc: {  	s0 =	sadd.s32 $0x8F2B, s0  }
0xbd: {  	[sflag:s0] =	ssyncadd.remote.s32 $0x1  }
0xbe: {  	_ =	sfence.sel $0xFFFF  }
0xbf: {  	[dreg:$0x0] =	wrdreg $0xFFFFFFFF;
	(pc) =	sbr.abs _section_cstart, $3  }
0xc0: {  	[dreg:$0x1] =	wrdreg $0xFFFFFFFF  }
0xc1: {  	_ =	task.clear_ibuf [dreg:s7], $0x2FFFF;
	_ =	strace $0x9FFFFFFF  }
0xc2: {  	(tm) =	ssettm $0x7FFFFFFF  }
0xc3: {  	_ =	shalt  }
tec
execute0_lowered:
.L_overlay_start_1:
0x0: {  	(tag) =	ssettag $0x1  }
0x1: {  	s0 =	srdreg.scid;
	s1 =	rddreg [dreg:$0x0]  }
0x2: {  	s2 =	stileid.u32;
	s5 =	rddreg [dreg:$0x1];
	s7 =	simm.s32 $0x2  }
0x3: {  	s9 =	simm.s32 $0xC000;
	s10 =	simm.s32 $0x800;
	s11 =	simm.s32 $0x1000  }
0x4: {  	s12 =	simm.s32 $0x1800;
	s13 =	simm.s32 $0x2000;
	s14 =	simm.s32 $0x2800  }
0x5: {  	s15 =	simm.s32 $0x3000;
	s16 =	simm.s32 $0x3800;
	s17 =	simm.s32 $0x4000  }
0x6: {  	s18 =	simm.s32 $0x4800;
	s19 =	simm.s32 $0x5000;
	s20 =	simm.s32 $0x5800  }
0x7: {  	s21 =	simm.s32 $0x6000;
	s22 =	simm.s32 $0x6800;
	s23 =	simm.s32 $0x7000  }
0x8: {  	s28 =	simm.s32 $0x9000;
	s29 =	simm.s32 $0x9800;
	s30 =	simm.s32 $0xA000  }
0x9: {  	s0 =	sand.u32 $0x1, s0;
	s3 =	sshll.u32 s2, $0x4;
	s2 =	simm.s32 $0x0  }
0xa: {  	s31 =	simm.s32 $0xA800;
	s4 =	sshll.u32 s0, $0x3;
	[smem:$0x7FF] =	sst s2  }
0xb: {  	s0 =	ssub.s32 $0x2, s0;
	s3 =	sor.u32 s4, s3;
	_ =	strace $0x80000047  }
0xc: {  	s24 =	sshrl.u32 s0, $0x1;
	s4 =	smul.u32 $0x300, s3;
	s6 =	sadd.s32 s3, s5  }
0xd: {  	s3 =	sadd.s32 $0x2200, s5;
	s0 =	ssub.s32 s0, s24;
	s24 =	simm.s32 $0x7800  }
0xe: {  	s25 =	sadd.s32 $0x2000, s6;
	s26 =	sadd.s32 $0x1E00, s6;
	s6 =	smax.u32 s0, $0x1  }
0xf: {  	v2 =	vlaneseq.u32;
	s0 =	simm.s32 $0x1;
	s1 =	sadd.s32 s1, s4;
	[dreg:$0x4] =	wrdreg s25  }
0x10: {  	vm0 =	vmmov $0xffff;
	v1 =	vshrl.u32 v2, $0x3;
	s4 =	sadd.s32 $0x2300, s5;
	s5 =	sadd.s32 $0x2400, s5;
	[dreg:$0x5] =	wrdreg s26  }
0x11: {  	v0 =	vand.u32 $0x7, v2;
	v2 =	vor.u32 $0x8, v2;
	v1 =	vmul.u32 $0x8, v1;
	s25 =	simm.s32 $0x8000;
	s26 =	simm.s32 $0x8800;
	[dreg:$0x3] =	wrdreg s1  }
.LBB2_1:
0x12: {  	s8 =	rddreg [dreg:$0x3]  }
0x13: {  	[tilespmem:s2], [sflag:$0x2] =	stream.linear.gather [hbm4b:s8+s2], $0xC000, $0x38;
	[tilespmem:$0xC080] =	vst v63  }
0x14: {  	_ =	swait.ge [sflag:s7], $0xC000  }
0x15: {  	[sflag:s7] =	ssyncset.done $0x0  }
0x16: {  	s1 =	rddreg [dreg:$0x4];
	[sflag:s7] =	ssyncadd.s32 $0xFFFF4000  }
0x17: {  	[tilespmem:s9], [sflag:$0x2] =	stream.linear.gather [hbm4b:s1+s2], $0x40, $0x38;
	[tilespmem:$0xC080] =	vst v63  }
0x18: {  	_ =	swait.ge [sflag:s7], $0x40  }
0x19: {  	[sflag:s7] =	ssyncset.done $0x0  }
0x1a: {  	[sflag:s7] =	ssyncadd.s32 $0xFFFFFFC0  }
0x1b: {  	v3 =	vld [tilespmem:$0xC000];
	_ =	sdelay $0x4  }
0x1c: {  	v4 =	vshrl.u32 v3, $0x3  }
0x1d: {  	v4 =	vmul.u32 $0x30, v4  }
0x1e: {  	v3 =	vand.u32 $0x7, v3  }
0x1f: {  	v3 =	vor.u32 v3, v4  }
0x20: {  	v4 =	vperm.xlane v3, v0;
	_ =	sdelay $0x1  }
0x21: {  	v4 =	vadd.s32 v1, v4;
	_ =	sdelay $0x3  }
0x22: {  	v3 =	vperm.xlane v3, v2  }
0x23: {  	[hbm4b:s3+s2] =	stream.indirect_vreg.scatter [tilespmem:s2], [sflag:$0x1], $0x80, v4, vm0, $0xb8;
	[tilespmem:$0xC080] =	vst v63  }
0x24: {  	v3 =	vadd.s32 v1, v3  }
0x25: {  	[hbm4b:s4+s2] =	stream.indirect_vreg.scatter [tilespmem:s10], [sflag:$0x1], $0x80, v4, vm0, $0xb8;
	[tilespmem:$0xC080] =	vst v63  }
0x26: {  	_ = 	snop  }
0x27: {  	[hbm4b:s5+s2] =	stream.indirect_vreg.scatter [tilespmem:s11], [sflag:$0x1], $0x80, v4, vm0, $0xb8;
	[tilespmem:$0xC080] =	vst v63  }
0x28: {  	_ = 	snop  }
0x29: {  	[hbm4b:s3+s2] =	stream.indirect_vreg.scatter [tilespmem:s12], [sflag:$0x1], $0x80, v3, vm0, $0xb8;
	[tilespmem:$0xC080] =	vst v63  }
0x2a: {  	_ = 	snop  }
0x2b: {  	[hbm4b:s4+s2] =	stream.indirect_vreg.scatter [tilespmem:s13], [sflag:$0x1], $0x80, v3, vm0, $0xb8;
	[tilespmem:$0xC080] =	vst v63  }
0x2c: {  	_ = 	snop  }
0x2d: {  	[hbm4b:s5+s2] =	stream.indirect_vreg.scatter [tilespmem:s14], [sflag:$0x1], $0x80, v3, vm0, $0xb8;
	[tilespmem:$0xC080] =	vst v63  }
0x2e: {  	v3 =	vld [tilespmem:$0xC010];
	_ =	sdelay $0x4  }
0x2f: {  	v57 =	vshrl.u32 v3, $0x3  }
0x30: {  	v4 =	vmul.u32 $0x30, v57  }
0x31: {  	v3 =	vand.u32 $0x7, v3  }
0x32: {  	v3 =	vor.u32 v3, v4  }
0x33: {  	v4 =	vperm.xlane v3, v0;
	_ =	sdelay $0x1  }
0x34: {  	v4 =	vadd.s32 v1, v4;
	_ =	sdelay $0x3  }
0x35: {  	v3 =	vperm.xlane v3, v2  }
0x36: {  	[hbm4b:s3+s2] =	stream.indirect_vreg.scatter [tilespmem:s15], [sflag:$0x1], $0x80, v4, vm0, $0xb8;
	[tilespmem:$0xC080] =	vst v63  }
0x37: {  	v3 =	vadd.s32 v1, v3  }
0x38: {  	[hbm4b:s4+s2] =	stream.indirect_vreg.scatter [tilespmem:s16], [sflag:$0x1], $0x80, v4, vm0, $0xb8;
	[tilespmem:$0xC080] =	vst v63  }
0x39: {  	_ = 	snop  }
0x3a: {  	[hbm4b:s5+s2] =	stream.indirect_vreg.scatter [tilespmem:s17], [sflag:$0x1], $0x80, v4, vm0, $0xb8;
	[tilespmem:$0xC080] =	vst v63  }
0x3b: {  	_ = 	snop  }
0x3c: {  	[hbm4b:s3+s2] =	stream.indirect_vreg.scatter [tilespmem:s18], [sflag:$0x1], $0x80, v3, vm0, $0xb8;
	[tilespmem:$0xC080] =	vst v63  }
0x3d: {  	_ = 	snop  }
0x3e: {  	[hbm4b:s4+s2] =	stream.indirect_vreg.scatter [tilespmem:s19], [sflag:$0x1], $0x80, v3, vm0, $0xb8;
	[tilespmem:$0xC080] =	vst v63  }
0x3f: {  	_ = 	snop  }
0x40: {  	[hbm4b:s5+s2] =	stream.indirect_vreg.scatter [tilespmem:s20], [sflag:$0x1], $0x80, v3, vm0, $0xb8;
	[tilespmem:$0xC080] =	vst v63  }
0x41: {  	v3 =	vld [tilespmem:$0xC020];
	_ =	sdelay $0x4  }
0x42: {  	v58 =	vshrl.u32 v3, $0x3  }
0x43: {  	v4 =	vmul.u32 $0x30, v58  }
0x44: {  	v3 =	vand.u32 $0x7, v3  }
0x45: {  	v3 =	vor.u32 v3, v4  }
0x46: {  	v4 =	vperm.xlane v3, v0;
	_ =	sdelay $0x1  }
0x47: {  	v4 =	vadd.s32 v1, v4;
	_ =	sdelay $0x3  }
0x48: {  	v3 =	vperm.xlane v3, v2  }
0x49: {  	[hbm4b:s3+s2] =	stream.indirect_vreg.scatter [tilespmem:s21], [sflag:$0x1], $0x80, v4, vm0, $0xb8;
	[tilespmem:$0xC080] =	vst v63  }
0x4a: {  	v3 =	vadd.s32 v1, v3  }
0x4b: {  	[hbm4b:s4+s2] =	stream.indirect_vreg.scatter [tilespmem:s22], [sflag:$0x1], $0x80, v4, vm0, $0xb8;
	[tilespmem:$0xC080] =	vst v63  }
0x4c: {  	_ = 	snop  }
0x4d: {  	[hbm4b:s5+s2] =	stream.indirect_vreg.scatter [tilespmem:s23], [sflag:$0x1], $0x80, v4, vm0, $0xb8;
	[tilespmem:$0xC080] =	vst v63  }
0x4e: {  	_ = 	snop  }
0x4f: {  	[hbm4b:s3+s2] =	stream.indirect_vreg.scatter [tilespmem:s24], [sflag:$0x1], $0x80, v3, vm0, $0xb8;
	[tilespmem:$0xC080] =	vst v63  }
0x50: {  	_ = 	snop  }
0x51: {  	[hbm4b:s4+s2] =	stream.indirect_vreg.scatter [tilespmem:s25], [sflag:$0x1], $0x80, v3, vm0, $0xb8;
	[tilespmem:$0xC080] =	vst v63  }
0x52: {  	_ = 	snop  }
0x53: {  	[hbm4b:s5+s2] =	stream.indirect_vreg.scatter [tilespmem:s26], [sflag:$0x1], $0x80, v3, vm0, $0xb8;
	[tilespmem:$0xC080] =	vst v63  }
0x54: {  	v3 =	vld [tilespmem:$0xC030];
	_ =	sdelay $0x4  }
0x55: {  	v59 =	vshrl.u32 v3, $0x3  }
0x56: {  	v4 =	vmul.u32 $0x30, v59  }
0x57: {  	v3 =	vand.u32 $0x7, v3  }
0x58: {  	v3 =	vor.u32 v3, v4  }
0x59: {  	v4 =	vperm.xlane v3, v0;
	_ =	sdelay $0x1  }
0x5a: {  	v4 =	vadd.s32 v1, v4;
	_ =	sdelay $0x3  }
0x5b: {  	v3 =	vperm.xlane v3, v2  }
0x5c: {  	[hbm4b:s3+s2] =	stream.indirect_vreg.scatter [tilespmem:s28], [sflag:$0x1], $0x80, v4, vm0, $0xb8;
	[tilespmem:$0xC080] =	vst v63  }
0x5d: {  	v3 =	vadd.s32 v1, v3  }
0x5e: {  	[hbm4b:s4+s2] =	stream.indirect_vreg.scatter [tilespmem:s29], [sflag:$0x1], $0x80, v4, vm0, $0xb8;
	[tilespmem:$0xC080] =	vst v63  }
0x5f: {  	_ = 	snop  }
0x60: {  	[hbm4b:s5+s2] =	stream.indirect_vreg.scatter [tilespmem:s30], [sflag:$0x1], $0x80, v4, vm0, $0xb8;
	[tilespmem:$0xC080] =	vst v63  }
0x61: {  	_ = 	snop  }
0x62: {  	[hbm4b:s3+s2] =	stream.indirect_vreg.scatter [tilespmem:s31], [sflag:$0x1], $0x80, v3, vm0, $0xb8;
	[tilespmem:$0xC080] =	vst v63  }
0x63: {  	s1 =	simm.s32 $0xB000  }
0x64: {  	[hbm4b:s4+s2] =	stream.indirect_vreg.scatter [tilespmem:s1], [sflag:$0x1], $0x80, v3, vm0, $0xb8;
	[tilespmem:$0xC080] =	vst v63  }
0x65: {  	s8 =	simm.s32 $0xB800  }
0x66: {  	[hbm4b:s5+s2] =	stream.indirect_vreg.scatter [tilespmem:s8], [sflag:$0x1], $0x80, v3, vm0, $0xb8;
	[tilespmem:$0xC080] =	vst v63  }
0x67: {  	_ =	swait.ge [sflag:s0], $0xC000  }
0x68: {  	[sflag:s0] =	ssyncset.done $0x0  }
0x69: {  	s8 =	rddreg [dreg:$0x5];
	[sflag:s0] =	ssyncadd.s32 $0xFFFF4000  }
0x6a: {  	[tilespmem:s9], [sflag:$0x2] =	stream.linear.gather [hbm4b:s8+s2], $0x40, $0x38;
	[tilespmem:$0xC080] =	vst v63  }
0x6b: {  	_ =	swait.ge [sflag:s7], $0x40  }
0x6c: {  	[sflag:s7] =	ssyncset.done $0x0  }
0x6d: {  	[sflag:s7] =	ssyncadd.s32 $0xFFFFFFC0  }
0x6e: {  	v3 =	vld [tilespmem:$0xC000];
	_ =	sdelay $0x4  }
0x6f: {  	v60 =	vshrl.u32 v3, $0x3  }
0x70: {  	v4 =	vmul.u32 $0x30, v60  }
0x71: {  	v3 =	vand.u32 $0x7, v3  }
0x72: {  	v3 =	vor.u32 v3, v4  }
0x73: {  	v4 =	vperm.xlane v3, v0;
	_ =	sdelay $0x1  }
0x74: {  	v4 =	vadd.s32 v1, v4;
	_ =	sdelay $0x3  }
0x75: {  	v3 =	vperm.xlane v3, v2  }
0x76: {  	[hbm4b:s3+s2] =	stream.indirect_vreg.scatter [tilespmem:s2], [sflag:$0x1], $0x80, v4, vm0, $0xb8;
	[tilespmem:$0xC080] =	vst v63  }
0x77: {  	v3 =	vadd.s32 v1, v3  }
0x78: {  	[hbm4b:s4+s2] =	stream.indirect_vreg.scatter [tilespmem:s10], [sflag:$0x1], $0x80, v4, vm0, $0xb8;
	[tilespmem:$0xC080] =	vst v63  }
0x79: {  	_ = 	snop  }
0x7a: {  	[hbm4b:s5+s2] =	stream.indirect_vreg.scatter [tilespmem:s11], [sflag:$0x1], $0x80, v4, vm0, $0xb8;
	[tilespmem:$0xC080] =	vst v63  }
0x7b: {  	_ = 	snop  }
0x7c: {  	[hbm4b:s3+s2] =	stream.indirect_vreg.scatter [tilespmem:s12], [sflag:$0x1], $0x80, v3, vm0, $0xb8;
	[tilespmem:$0xC080] =	vst v63  }
0x7d: {  	_ = 	snop  }
0x7e: {  	[hbm4b:s4+s2] =	stream.indirect_vreg.scatter [tilespmem:s13], [sflag:$0x1], $0x80, v3, vm0, $0xb8;
	[tilespmem:$0xC080] =	vst v63  }
0x7f: {  	_ = 	snop  }
0x80: {  	[hbm4b:s5+s2] =	stream.indirect_vreg.scatter [tilespmem:s14], [sflag:$0x1], $0x80, v3, vm0, $0xb8;
	[tilespmem:$0xC080] =	vst v63  }
0x81: {  	v3 =	vld [tilespmem:$0xC010];
	_ =	sdelay $0x4  }
0x82: {  	v61 =	vshrl.u32 v3, $0x3  }
0x83: {  	v4 =	vmul.u32 $0x30, v61  }
0x84: {  	v3 =	vand.u32 $0x7, v3  }
0x85: {  	v3 =	vor.u32 v3, v4  }
0x86: {  	v4 =	vperm.xlane v3, v0;
	_ =	sdelay $0x1  }
0x87: {  	v4 =	vadd.s32 v1, v4;
	_ =	sdelay $0x3  }
0x88: {  	v3 =	vperm.xlane v3, v2  }
0x89: {  	[hbm4b:s3+s2] =	stream.indirect_vreg.scatter [tilespmem:s15], [sflag:$0x1], $0x80, v4, vm0, $0xb8;
	[tilespmem:$0xC080] =	vst v63  }
0x8a: {  	v3 =	vadd.s32 v1, v3  }
0x8b: {  	[hbm4b:s4+s2] =	stream.indirect_vreg.scatter [tilespmem:s16], [sflag:$0x1], $0x80, v4, vm0, $0xb8;
	[tilespmem:$0xC080] =	vst v63  }
0x8c: {  	_ = 	snop  }
0x8d: {  	[hbm4b:s5+s2] =	stream.indirect_vreg.scatter [tilespmem:s17], [sflag:$0x1], $0x80, v4, vm0, $0xb8;
	[tilespmem:$0xC080] =	vst v63  }
0x8e: {  	_ = 	snop  }
0x8f: {  	[hbm4b:s3+s2] =	stream.indirect_vreg.scatter [tilespmem:s18], [sflag:$0x1], $0x80, v3, vm0, $0xb8;
	[tilespmem:$0xC080] =	vst v63  }
0x90: {  	_ = 	snop  }
0x91: {  	[hbm4b:s4+s2] =	stream.indirect_vreg.scatter [tilespmem:s19], [sflag:$0x1], $0x80, v3, vm0, $0xb8;
	[tilespmem:$0xC080] =	vst v63  }
0x92: {  	_ = 	snop  }
0x93: {  	[hbm4b:s5+s2] =	stream.indirect_vreg.scatter [tilespmem:s20], [sflag:$0x1], $0x80, v3, vm0, $0xb8;
	[tilespmem:$0xC080] =	vst v63  }
0x94: {  	v3 =	vld [tilespmem:$0xC020];
	_ =	sdelay $0x4  }
0x95: {  	v62 =	vshrl.u32 v3, $0x3  }
0x96: {  	v4 =	vmul.u32 $0x30, v62  }
0x97: {  	v3 =	vand.u32 $0x7, v3  }
0x98: {  	v3 =	vor.u32 v3, v4  }
0x99: {  	v4 =	vperm.xlane v3, v0;
	_ =	sdelay $0x1  }
0x9a: {  	v4 =	vadd.s32 v1, v4;
	_ =	sdelay $0x3  }
0x9b: {  	v3 =	vperm.xlane v3, v2  }
0x9c: {  	[hbm4b:s3+s2] =	stream.indirect_vreg.scatter [tilespmem:s21], [sflag:$0x1], $0x80, v4, vm0, $0xb8;
	[tilespmem:$0xC080] =	vst v63  }
0x9d: {  	v3 =	vadd.s32 v1, v3  }
0x9e: {  	[hbm4b:s4+s2] =	stream.indirect_vreg.scatter [tilespmem:s22], [sflag:$0x1], $0x80, v4, vm0, $0xb8;
	[tilespmem:$0xC080] =	vst v63  }
0x9f: {  	_ = 	snop  }
0xa0: {  	[hbm4b:s5+s2] =	stream.indirect_vreg.scatter [tilespmem:s23], [sflag:$0x1], $0x80, v4, vm0, $0xb8;
	[tilespmem:$0xC080] =	vst v63  }
0xa1: {  	_ = 	snop  }
0xa2: {  	[hbm4b:s3+s2] =	stream.indirect_vreg.scatter [tilespmem:s24], [sflag:$0x1], $0x80, v3, vm0, $0xb8;
	[tilespmem:$0xC080] =	vst v63  }
0xa3: {  	_ = 	snop  }
0xa4: {  	[hbm4b:s4+s2] =	stream.indirect_vreg.scatter [tilespmem:s25], [sflag:$0x1], $0x80, v3, vm0, $0xb8;
	[tilespmem:$0xC080] =	vst v63  }
0xa5: {  	_ = 	snop  }
0xa6: {  	[hbm4b:s5+s2] =	stream.indirect_vreg.scatter [tilespmem:s26], [sflag:$0x1], $0x80, v3, vm0, $0xb8;
	[tilespmem:$0xC080] =	vst v63  }
0xa7: {  	v3 =	vld [tilespmem:$0xC030];
	_ =	sdelay $0x4  }
0xa8: {  	v63 =	vshrl.u32 v3, $0x3  }
0xa9: {  	v4 =	vmul.u32 $0x30, v63  }
0xaa: {  	v3 =	vand.u32 $0x7, v3  }
0xab: {  	v3 =	vor.u32 v3, v4  }
0xac: {  	v4 =	vperm.xlane v3, v0;
	_ =	sdelay $0x1  }
0xad: {  	v4 =	vadd.s32 v1, v4;
	_ =	sdelay $0x3  }
0xae: {  	v3 =	vperm.xlane v3, v2  }
0xaf: {  	[hbm4b:s3+s2] =	stream.indirect_vreg.scatter [tilespmem:s28], [sflag:$0x1], $0x80, v4, vm0, $0xb8;
	[tilespmem:$0xC080] =	vst v63  }
0xb0: {  	v3 =	vadd.s32 v1, v3  }
0xb1: {  	[hbm4b:s4+s2] =	stream.indirect_vreg.scatter [tilespmem:s29], [sflag:$0x1], $0x80, v4, vm0, $0xb8;
	[tilespmem:$0xC080] =	vst v63  }
0xb2: {  	_ = 	snop  }
0xb3: {  	[hbm4b:s5+s2] =	stream.indirect_vreg.scatter [tilespmem:s30], [sflag:$0x1], $0x80, v4, vm0, $0xb8;
	[tilespmem:$0xC080] =	vst v63  }
0xb4: {  	_ = 	snop  }
0xb5: {  	[hbm4b:s3+s2] =	stream.indirect_vreg.scatter [tilespmem:s31], [sflag:$0x1], $0x80, v3, vm0, $0xb8;
	[tilespmem:$0xC080] =	vst v63  }
0xb6: {  	p0 =	sne.s32 s6, $0x1  }
0xb7: {  	[hbm4b:s4+s2] =	stream.indirect_vreg.scatter [tilespmem:s1], [sflag:$0x1], $0x80, v3, vm0, $0xb8;
	[tilespmem:$0xC080] =	vst v63  }
.Ltmp0:
0xb8: {  	s8 =	simm.s32 $0xB800;
	(pc) =	sbr.rel @p0 .LBB2_1-.Ltmp0, $4  }
0xb9: {  	[hbm4b:s5+s2] =	stream.indirect_vreg.scatter [tilespmem:s8], [sflag:$0x1], $0x80, v3, vm0, $0xb8;
	[tilespmem:$0xC080] =	vst v63  }
0xba: {  	_ =	swait.ge [sflag:s0], $0xC000  }
0xbb: {  	[sflag:s0] =	ssyncset.done $0x0  }
0xbc: {  	s6 =	sadd.s32 $0xFFFFFFFF, s6;
	[sflag:s0] =	ssyncadd.s32 $0xFFFF4000  }
0xbd: {  	_ =	sfence.sel $0x180000  }
0xbe: {  	[bflag:$0x0] =	sbarrier.arrive $0xFFFF  }
0xbf: {  	_ =	strace $0x90000047  }
0xc0: {  	s0 =	stileid.u32;
	[bflag:$0x2] =	sbarrier.arrive $0xFFFF  }
0xc1: {  	p0 =	sne.s32 s0, $0x0;
	s0 =	rddreg [dreg:$0x2]  }
0xc2: {  	s0 =	sadd.s32 @!p0 $0x100000, s0  }
0xc3: {  	[sflag:s0] =	ssyncadd.tile.s32 @!p0 $0x1;
	_ =	shalt  }
.Lfunc_end2:
_tile_overlayer_lowered:
.L_overlay_start_2:
0xc4: {  	(tag) =	ssettag $0x2  }
0xc5: {  	s0 =	rddreg [dreg:$0x0];
	s2 =	stileid.u32  }
0xc6: {  	s1 =	rddreg [dreg:$0x1];
	p0 =	sne.s32 s2, $0x0  }
0xc7: {  	s3 =	rddreg [dreg:$0x2];
	[bflag:$0x3] =	sbarrier.arrive $0xFFFF;
	s2 =	simm.s32 @!p0 $0x1C02  }
0xc8: {  	[timem:s3], [sflag:s2] =	dma.local @!p0 [hbm:s0], s1  }
0xc9: {  	s0 =	simm.s32 @!p0 $0x2  }
0xca: {  	_ =	swait.ge @!p0 [sflag:s0], s1  }
0xcb: {  	s1 =	ssub.s32 @!p0 $0x0, s1;
	[sflag:s0] =	ssyncset.done @!p0 $0x0  }
0xcc: {  	[sflag:s0] =	ssyncadd.s32 @!p0 s1  }
0xcd: {  	[bflag:$0x3] =	sbarrier.arrive $0xFFFF  }
0xce: {  	_ =	shalt  }

</sc_bundles>
